<compile_context>
chip_gen: v7x
topology: tpu7x:2x2x1
jax: 0.10.2.dev20260603
libtpu: 0.0.44.dev20260713+nightly
codegen_flags: <defaults>
</compile_context>

<pallas_src>
import functools
import math

import jax
import jax.numpy as jnp
from jax import lax
from jax.experimental import pallas as pl
from jax.experimental.pallas import tpu as pltpu
from jax.experimental.pallas import tpu_sc as plsc

_PERCENT = 0.1
_KPAD = 256
_NC, _NS = 2, 16
_NW = _NC * _NS


def _cumsum_lanes(x):
    B, N = x.shape
    R = N // 128
    xr = x.reshape(B, R, 128)
    ut128 = jnp.where(
        lax.broadcasted_iota(jnp.int32, (128, 128), 0) <=
        lax.broadcasted_iota(jnp.int32, (128, 128), 1), 1.0, 0.0)
    within = lax.dot_general(xr, ut128, (((2,), (0,)), ((), ())),
                             preferred_element_type=jnp.float32,
                             precision=lax.Precision.HIGHEST)
    rowsum = jnp.sum(xr, axis=2)
    sut = jnp.where(
        lax.broadcasted_iota(jnp.int32, (R, R), 0) <
        lax.broadcasted_iota(jnp.int32, (R, R), 1), 1.0, 0.0)
    offs = lax.dot_general(rowsum, sut, (((1,), (0,)), ((), ())),
                           preferred_element_type=jnp.float32,
                             precision=lax.Precision.HIGHEST)
    return (within + offs[:, :, None]).reshape(B, N)


def _score_topk_body(x_ref, mask_ref, w_ref, assign_ref, hc_ref,
                     top_ref, gidx_ref, kvec_ref, m_ref):
    B, N, D = x_ref.shape
    kmax = int(math.ceil(_PERCENT * N))
    x = x_ref[...]
    hidden = jnp.sum(x, axis=1)
    rh = jnp.maximum(
        jnp.dot(hidden, w_ref[...], preferred_element_type=jnp.float32), 0.0)
    ip = lax.dot_general(x, rh, (((2,), (1,)), ((0,), (0,))),
                         preferred_element_type=jnp.float32)
    e = jnp.exp(ip - jnp.max(ip, axis=1, keepdims=True))
    ip = e / jnp.sum(e, axis=1, keepdims=True)
    kf = jnp.ceil(_PERCENT * jnp.sum(mask_ref[...], axis=1, keepdims=True))
    kvec_ref[...] = jnp.broadcast_to(kf, kvec_ref.shape)

    for b in range(B):
        m_ref[b] = jnp.dot(assign_ref[b], hc_ref[b],
                           preferred_element_type=jnp.float32)

    u = lax.bitcast_convert_type(ip, jnp.int32)

    def bs_body(i, t):
        cand = t + lax.shift_left(jnp.int32(1), 29 - i)
        cnt = jnp.sum(jnp.where(u >= cand, 1.0, 0.0), axis=1, keepdims=True)
        return jnp.where(cnt >= kmax, cand, t)

    t = lax.fori_loop(0, 30, bs_body, jnp.zeros((B, 1), jnp.int32))

    gtT = u > t
    eqT = u == t
    gtf = jnp.where(gtT, 1.0, 0.0)
    eqf = jnp.where(eqT, 1.0, 0.0)
    cgt = jnp.sum(gtf, axis=1, keepdims=True)
    poseq = _cumsum_lanes(eqf)
    sel = jnp.where(gtT, 1.0, jnp.where(eqT, 1.0, 0.0) *
                    jnp.where(poseq <= (kmax - cgt), 1.0, 0.0))

    slot = _cumsum_lanes(sel) - 1.0
    slot = jnp.where(sel > 0.0, slot, -1.0)
    iota_kf = lax.broadcasted_iota(jnp.int32, (1, 1, _KPAD), 2).astype(jnp.float32)
    oh = jnp.where(slot[:, :, None] == iota_kf, 1.0, 0.0)
    vals_c = lax.dot_general(ip, oh, (((1,), (1,)), ((0,), (0,))),
                             preferred_element_type=jnp.float32,
                             precision=lax.Precision.HIGHEST)
    nf = lax.broadcasted_iota(jnp.int32, (B, N), 1).astype(jnp.float32)
    idxs_c = lax.dot_general(nf, oh, (((1,), (1,)), ((0,), (0,))),
                             preferred_element_type=jnp.float32,
                             precision=lax.Precision.HIGHEST)
    pmask = lax.broadcasted_iota(jnp.int32, (B, _KPAD), 1) >= kmax
    vals_c = jnp.where(pmask, -1.0, vals_c)
    idxs_c = jnp.where(pmask,
                       lax.broadcasted_iota(jnp.int32, (B, _KPAD), 1)
                       .astype(jnp.float32), idxs_c)

    vq = vals_c[:, :, None]
    vp = vals_c[:, None, :]
    qlt = (lax.broadcasted_iota(jnp.int32, (1, _KPAD, _KPAD), 1) <
           lax.broadcasted_iota(jnp.int32, (1, _KPAD, _KPAD), 2))
    before = jnp.where(vq > vp, 1.0,
                       jnp.where((vq == vp) & qlt, 1.0, 0.0))
    ones_q = jnp.ones((B, _KPAD), jnp.float32)
    rank = lax.dot_general(ones_q, before, (((1,), (1,)), ((0,), (0,))),
                           preferred_element_type=jnp.float32,
                             precision=lax.Precision.HIGHEST)
    oh2 = jnp.where(rank[:, :, None] == iota_kf, 1.0, 0.0)
    topf = lax.dot_general(idxs_c, oh2, (((1,), (1,)), ((0,), (0,))),
                           preferred_element_type=jnp.float32,
                             precision=lax.Precision.HIGHEST)
    topi = topf.astype(jnp.int32)
    top_ref[...] = topi
    gidx_ref[...] = topi + lax.broadcasted_iota(jnp.int32, (B, _KPAD), 0) * N


def _sc_gather_body(rows_per_w, gidx_hbm, adj_hbm, m_hbm, s_out, mg_out,
                    idx_v, rows_v, mrows_v, sem_a, sem_b):
    wid = lax.axis_index("s") * _NC + lax.axis_index("c")
    base = wid * rows_per_w
    pltpu.sync_copy(gidx_hbm.at[pl.ds(base, rows_per_w)], idx_v)
    cp_a = pltpu.async_copy(adj_hbm.at[idx_v], rows_v, sem_a)
    cp_b = pltpu.async_copy(m_hbm.at[idx_v], mrows_v, sem_b)
    cp_a.wait()
    cp_b.wait()
    pltpu.sync_copy(rows_v, s_out.at[pl.ds(base, rows_per_w)])
    pltpu.sync_copy(mrows_v, mg_out.at[pl.ds(base, rows_per_w)])


def _matmul_body(s_ref, x_ref, mg_ref, wic_ref, kvec_ref, h2_ref):
    s = s_ref[0]
    h = jnp.dot(s, x_ref[0], preferred_element_type=jnp.float32)
    out = h + mg_ref[0]
    kv = kvec_ref[0, 0, 0]
    rows = lax.broadcasted_iota(jnp.int32, (s.shape[0], 1), 0).astype(jnp.float32)
    out = jnp.where(rows < kv, out, 0.0)
    h2_ref[0] = jnp.maximum(
        jnp.dot(out, wic_ref[...], preferred_element_type=jnp.float32), 0.0)


def kernel(X, adj, mask, assign_matrix, H_coarse, w, W_ic):
    B, N, D = X.shape
    kmax = int(math.ceil(_PERCENT * N))

    top_full, gidx, kvecf, M = pl.pallas_call(
        _score_topk_body,
        out_shape=[
            jax.ShapeDtypeStruct((B, _KPAD), jnp.int32),
            jax.ShapeDtypeStruct((B, _KPAD), jnp.int32),
            jax.ShapeDtypeStruct((B, 128), jnp.float32),
            jax.ShapeDtypeStruct((B, N, D), jnp.float32),
        ],
    )(X, mask, w, assign_matrix, H_coarse)

    rows_per_w = (B * _KPAD) // _NW
    mesh = plsc.VectorSubcoreMesh(core_axis_name="c", subcore_axis_name="s")
    sc_gather = pl.kernel(
        functools.partial(_sc_gather_body, rows_per_w),
        out_type=[
            jax.ShapeDtypeStruct((B * _KPAD, N), jnp.float32),
            jax.ShapeDtypeStruct((B * _KPAD, D), jnp.float32),
        ],
        mesh=mesh,
        scratch_types=[
            pltpu.VMEM((rows_per_w,), jnp.int32),
            pltpu.VMEM((rows_per_w, N), jnp.float32),
            pltpu.VMEM((rows_per_w, D), jnp.float32),
            pltpu.SemaphoreType.DMA,
            pltpu.SemaphoreType.DMA,
        ],
    )
    s_flat, mg_flat = sc_gather(gidx.reshape(B * _KPAD),
                                adj.reshape(B * N, N),
                                M.reshape(B * N, D))

    h2full = pl.pallas_call(
        _matmul_body,
        grid=(B,),
        in_specs=[
            pl.BlockSpec((1, _KPAD, N), lambda b: (b, 0, 0)),
            pl.BlockSpec((1, N, D), lambda b: (b, 0, 0)),
            pl.BlockSpec((1, _KPAD, D), lambda b: (b, 0, 0)),
            pl.BlockSpec((D, D), lambda b: (0, 0)),
            pl.BlockSpec((1, 1, 128), lambda b: (b, 0, 0)),
        ],
        out_specs=pl.BlockSpec((1, _KPAD, D), lambda b: (b, 0, 0)),
        out_shape=jax.ShapeDtypeStruct((B, _KPAD, D), jnp.float32),
    )(s_flat.reshape(B, _KPAD, N), X, mg_flat.reshape(B, _KPAD, D),
      W_ic, kvecf.reshape(B, 1, 128))

    top_index = top_full[:, :kmax]
    H2 = h2full[:, :kmax, :]
    k_arr = kvecf[:, 0].astype(jnp.int32)
    return top_index, H2, k_arr

# --- scband reference (transcript-rebuilt; emitter-appended) ---
"""Pipeline reference for scband-att-pool-block-14620068675983 (READ-ONLY COPY).

The authoritative reference and input builder live on the scoring server;
editing this copy changes nothing except your own understanding.
"""

import jax, jax.numpy as jnp
import numpy as np
import math

HIDDEN = 128
PERCENT = 0.1
ASSIGN_RATIO = 0.1
MAX_NODES = 2048


def setup_inputs(seed: int = 0) -> dict:
    key = jax.random.key(seed)
    ks = jax.random.split(key, 6)
    B, N, D = 4, 2048, HIDDEN
    C = int(MAX_NODES * ASSIGN_RATIO)
    X = jax.random.normal(ks[0], (B, N, D), dtype=jnp.float32)
    adj = jax.random.uniform(ks[1], (B, N, N), dtype=jnp.float32)
    mask = jnp.ones((B, N), dtype=jnp.float32)
    assign_matrix = jax.random.uniform(ks[2], (B, N, C), dtype=jnp.float32)
    H_coarse = jax.random.normal(ks[3], (B, C, D), dtype=jnp.float32)
    # learned parameters
    w = jax.random.normal(ks[4], (D, D), dtype=jnp.float32)  # AttPoolBlock.w (normal init)
    W_ic = jax.random.normal(ks[5], (D, D), dtype=jnp.float32) * math.sqrt(2.0 / (D + D))  # InterChannelGCN.weight (xavier)
    return {"X": X, "adj": adj, "mask": mask, "assign_matrix": assign_matrix, "H_coarse": H_coarse, "w": w, "W_ic": W_ic}


def reference(X, adj, mask, assign_matrix, H_coarse, w, W_ic):
    B, N, D = X.shape
    # readout: sum over nodes
    hidden = X.sum(axis=1)  # [B, D]
    reference_hidden = jax.nn.relu(jnp.matmul(hidden, w))  # [B, D]
    k_max = int(math.ceil(PERCENT * N))
    # per-graph k (data-dependent in torch; here realized as a masked prefix)
    k_arr = jnp.ceil(PERCENT * mask.sum(axis=1)).astype(jnp.int32)  # [B]
    inner_prod = (X * reference_hidden[:, None, :]).sum(axis=-1)  # [B, N]
    scores = jax.nn.softmax(inner_prod, axis=1)
    _, top_index = jax.lax.top_k(scores, k_max)  # [B, k_max]
    row_valid = (jnp.arange(k_max)[None, :] < k_arr[:, None]).astype(X.dtype)  # [B, k_max]
    new_mask = row_valid
    # S_reserve[i, 0:k] = adj[i, top_index[i, :k]]
    gathered_adj = jnp.take_along_axis(adj, top_index[:, :, None], axis=1)  # [B, k_max, N]
    S_reserve = gathered_adj * row_valid[:, :, None]
    gathered_assign = jnp.take_along_axis(assign_matrix, top_index[:, :, None], axis=1)  # [B, k_max, C]
    inter_channel_adj = gathered_assign * row_valid[:, :, None]
    H = jnp.matmul(S_reserve, X)  # [B, k_max, D]
    # InterChannelGCN (add_self=True, normalize=False)
    out = jnp.matmul(inter_channel_adj, H_coarse) + H
    H2 = jax.nn.relu(jnp.matmul(out, W_ic))
    # new_adj computed (but not returned) in the torch module
    new_adj = jnp.matmul(jnp.matmul(S_reserve, adj), jnp.swapaxes(S_reserve, 1, 2))
    return (top_index, H2, k_arr)

if __name__ == "__main__":
    import jax
    _d = setup_inputs()
    print(jax.jit(kernel)(*tuple(_d.values())))

</pallas_src>

<mosaic_0001>
#map = affine_map<(d0, d1) -> (0)>
#map1 = affine_map<(d0, d1) -> (0, 0)>
module attributes {stable_mosaic.version = 14 : i64} {
  func.func @_sc_gather_body(%arg0: i32, %arg1: i32, %arg2: memref<1024xi32, #tpu.memory_space<hbm>>, %arg3: memref<8192x2048xf32, #tpu.memory_space<hbm>>, %arg4: memref<8192x128xf32, #tpu.memory_space<hbm>>, %arg5: memref<1024x2048xf32, #tpu.memory_space<hbm>>, %arg6: memref<1024x128xf32, #tpu.memory_space<hbm>>, %arg7: memref<32xi32, #tpu.memory_space<vmem>>, %arg8: memref<32x2048xf32, #tpu.memory_space<vmem>>, %arg9: memref<32x128xf32, #tpu.memory_space<vmem>>, %arg10: memref<!tpu.dma_semaphore, #tpu.memory_space<semaphore_mem>>, %arg11: memref<!tpu.dma_semaphore, #tpu.memory_space<semaphore_mem>>) attributes {dimension_semantics = [#tpu.dimension_semantics<core_parallel>, #tpu.dimension_semantics<subcore_parallel>], iteration_bounds = array<i64: 2, 16>, scalar_prefetch = 0 : i64, scratch_operands = 5 : i64, tpu.core_type = #tpu.core_type<sc_vector_subcore>, window_params = [{transform_indices = #map}, {transform_indices = #map1}, {transform_indices = #map1}, {transform_indices = #map1}, {transform_indices = #map1}]} {
    %mul3A = arith.constant 2 : i32
    %mul3A_0 = arith.muli %arg1, %mul3A : i32
    %add3A = arith.addi %mul3A_0, %arg0 : i32
    %mul3A_1 = arith.constant 32 : i32
    %mul3A_2 = arith.muli %add3A, %mul3A_1 : i32
    "tpu.region"() ({
      %run_scoped3A = tpu.sem_alloc : memref<!tpu.dma_semaphore, #tpu.memory_space<semaphore_mem>>
      %dma_start3A_13 = tpu.memref_slice %arg2[%mul3A_2] : memref<1024xi32, #tpu.memory_space<hbm>> -> memref<32xi32, #tpu.memory_space<hbm>>
      %dma_start3A_14 = tpu.memref_slice %arg2[%mul3A_2] : memref<1024xi32, #tpu.memory_space<hbm>> -> memref<32xi32, #tpu.memory_space<hbm>>
      tpu.enqueue_dma source(%dma_start3A_14 : memref<32xi32, #tpu.memory_space<hbm>>) target(%arg7 : memref<32xi32, #tpu.memory_space<vmem>>) target_semaphore(%run_scoped3A : memref<!tpu.dma_semaphore, #tpu.memory_space<semaphore_mem>>)
      %dma_wait3A_15 = tpu.memref_slice %arg2[%mul3A_2] : memref<1024xi32, #tpu.memory_space<hbm>> -> memref<32xi32, #tpu.memory_space<hbm>>
      %dma_wait3A_16 = tpu.memref_slice %arg2[%mul3A_2] : memref<1024xi32, #tpu.memory_space<hbm>> -> memref<32xi32, #tpu.memory_space<hbm>>
      tpu.wait_dma2 semaphore(%run_scoped3A : memref<!tpu.dma_semaphore, #tpu.memory_space<semaphore_mem>>) src(%dma_wait3A_16 : memref<32xi32, #tpu.memory_space<hbm>>) dst(%arg7 : memref<32xi32, #tpu.memory_space<vmem>>)
      tpu.yield
    }) : () -> ()
    %dma_start3A = arith.constant 0 : i32
    %dma_start3A_3 = arith.constant 0 : i32
    %dma_start3A_4 = tpu.memref_slice %arg3[%dma_start3A, %dma_start3A_3] : memref<8192x2048xf32, #tpu.memory_space<hbm>> -> memref<8192x2048xf32, #tpu.memory_space<hbm>>
    tpu.enqueue_indirect_dma source(%dma_start3A_4 : memref<8192x2048xf32, #tpu.memory_space<hbm>>) target(%arg8 : memref<32x2048xf32, #tpu.memory_space<vmem>>) offsets(%arg7 : memref<32xi32, #tpu.memory_space<vmem>>) semaphore(%arg10 : memref<!tpu.dma_semaphore, #tpu.memory_space<semaphore_mem>>)
    %dma_start3A_5 = arith.constant 0 : i32
    %dma_start3A_6 = arith.constant 0 : i32
    %dma_start3A_7 = tpu.memref_slice %arg4[%dma_start3A_5, %dma_start3A_6] : memref<8192x128xf32, #tpu.memory_space<hbm>> -> memref<8192x128xf32, #tpu.memory_space<hbm>>
    tpu.enqueue_indirect_dma source(%dma_start3A_7 : memref<8192x128xf32, #tpu.memory_space<hbm>>) target(%arg9 : memref<32x128xf32, #tpu.memory_space<vmem>>) offsets(%arg7 : memref<32xi32, #tpu.memory_space<vmem>>) semaphore(%arg11 : memref<!tpu.dma_semaphore, #tpu.memory_space<semaphore_mem>>)
    %dma_wait3A = arith.constant 0 : i32
    %dma_wait3A_8 = arith.constant 0 : i32
    %dma_wait3A_9 = tpu.memref_slice %arg3[%dma_wait3A, %dma_wait3A_8] : memref<8192x2048xf32, #tpu.memory_space<hbm>> -> memref<8192x2048xf32, #tpu.memory_space<hbm>>
    tpu.wait_indirect_dma semaphore(%arg10 : memref<!tpu.dma_semaphore, #tpu.memory_space<semaphore_mem>>) src(%dma_wait3A_9 : memref<8192x2048xf32, #tpu.memory_space<hbm>>) dst(%arg8 : memref<32x2048xf32, #tpu.memory_space<vmem>>)
    %dma_wait3A_10 = arith.constant 0 : i32
    %dma_wait3A_11 = arith.constant 0 : i32
    %dma_wait3A_12 = tpu.memref_slice %arg4[%dma_wait3A_10, %dma_wait3A_11] : memref<8192x128xf32, #tpu.memory_space<hbm>> -> memref<8192x128xf32, #tpu.memory_space<hbm>>
    tpu.wait_indirect_dma semaphore(%arg11 : memref<!tpu.dma_semaphore, #tpu.memory_space<semaphore_mem>>) src(%dma_wait3A_12 : memref<8192x128xf32, #tpu.memory_space<hbm>>) dst(%arg9 : memref<32x128xf32, #tpu.memory_space<vmem>>)
    "tpu.region"() ({
      %run_scoped3A = tpu.sem_alloc : memref<!tpu.dma_semaphore, #tpu.memory_space<semaphore_mem>>
      %dma_start3A_13 = arith.constant 0 : i32
      %dma_start3A_14 = tpu.memref_slice %arg5[%mul3A_2, %dma_start3A_13] : memref<1024x2048xf32, #tpu.memory_space<hbm>> -> memref<32x2048xf32, #tpu.memory_space<hbm>>
      %dma_start3A_15 = arith.constant 0 : i32
      %dma_start3A_16 = tpu.memref_slice %arg5[%mul3A_2, %dma_start3A_15] : memref<1024x2048xf32, #tpu.memory_space<hbm>> -> memref<32x2048xf32, #tpu.memory_space<hbm>>
      tpu.enqueue_dma source(%arg8 : memref<32x2048xf32, #tpu.memory_space<vmem>>) target(%dma_start3A_16 : memref<32x2048xf32, #tpu.memory_space<hbm>>) target_semaphore(%run_scoped3A : memref<!tpu.dma_semaphore, #tpu.memory_space<semaphore_mem>>)
      %dma_wait3A_17 = arith.constant 0 : i32
      %dma_wait3A_18 = tpu.memref_slice %arg5[%mul3A_2, %dma_wait3A_17] : memref<1024x2048xf32, #tpu.memory_space<hbm>> -> memref<32x2048xf32, #tpu.memory_space<hbm>>
      %dma_wait3A_19 = arith.constant 0 : i32
      %dma_wait3A_20 = tpu.memref_slice %arg5[%mul3A_2, %dma_wait3A_19] : memref<1024x2048xf32, #tpu.memory_space<hbm>> -> memref<32x2048xf32, #tpu.memory_space<hbm>>
      tpu.wait_dma2 semaphore(%run_scoped3A : memref<!tpu.dma_semaphore, #tpu.memory_space<semaphore_mem>>) src(%arg8 : memref<32x2048xf32, #tpu.memory_space<vmem>>) dst(%dma_wait3A_20 : memref<32x2048xf32, #tpu.memory_space<hbm>>)
      tpu.yield
    }) : () -> ()
    "tpu.region"() ({
      %run_scoped3A = tpu.sem_alloc : memref<!tpu.dma_semaphore, #tpu.memory_space<semaphore_mem>>
      %dma_start3A_13 = arith.constant 0 : i32
      %dma_start3A_14 = tpu.memref_slice %arg6[%mul3A_2, %dma_start3A_13] : memref<1024x128xf32, #tpu.memory_space<hbm>> -> memref<32x128xf32, #tpu.memory_space<hbm>>
      %dma_start3A_15 = arith.constant 0 : i32
      %dma_start3A_16 = tpu.memref_slice %arg6[%mul3A_2, %dma_start3A_15] : memref<1024x128xf32, #tpu.memory_space<hbm>> -> memref<32x128xf32, #tpu.memory_space<hbm>>
      tpu.enqueue_dma source(%arg9 : memref<32x128xf32, #tpu.memory_space<vmem>>) target(%dma_start3A_16 : memref<32x128xf32, #tpu.memory_space<hbm>>) target_semaphore(%run_scoped3A : memref<!tpu.dma_semaphore, #tpu.memory_space<semaphore_mem>>)
      %dma_wait3A_17 = arith.constant 0 : i32
      %dma_wait3A_18 = tpu.memref_slice %arg6[%mul3A_2, %dma_wait3A_17] : memref<1024x128xf32, #tpu.memory_space<hbm>> -> memref<32x128xf32, #tpu.memory_space<hbm>>
      %dma_wait3A_19 = arith.constant 0 : i32
      %dma_wait3A_20 = tpu.memref_slice %arg6[%mul3A_2, %dma_wait3A_19] : memref<1024x128xf32, #tpu.memory_space<hbm>> -> memref<32x128xf32, #tpu.memory_space<hbm>>
      tpu.wait_dma2 semaphore(%run_scoped3A : memref<!tpu.dma_semaphore, #tpu.memory_space<semaphore_mem>>) src(%arg9 : memref<32x128xf32, #tpu.memory_space<vmem>>) dst(%dma_wait3A_20 : memref<32x128xf32, #tpu.memory_space<hbm>>)
      tpu.yield
    }) : () -> ()
    return
  }
}

module attributes {stable_mosaic.version = 14 : i64} {
  func.func @_score_topk_body(%arg0: memref<4x2048x128xf32, #tpu.memory_space<vmem>>, %arg1: memref<4x2048xf32, #tpu.memory_space<vmem>>, %arg2: memref<128x128xf32, #tpu.memory_space<vmem>>, %arg3: memref<4x2048x204xf32, #tpu.memory_space<vmem>>, %arg4: memref<4x204x128xf32, #tpu.memory_space<vmem>>, %arg5: memref<4x256xi32, #tpu.memory_space<vmem>>, %arg6: memref<4x256xi32, #tpu.memory_space<vmem>>, %arg7: memref<4x128xf32, #tpu.memory_space<vmem>>, %arg8: memref<4x2048x128xf32, #tpu.memory_space<vmem>>) attributes {dimension_semantics = [], scalar_prefetch = 0 : i64, scratch_operands = 0 : i64, tpu.core_type = #tpu.core_type<tc>} {
    %get3A = arith.constant 0 : index
    %get3A_0 = arith.constant 0 : index
    %get3A_1 = arith.constant 0 : index
    %get3A_2 = vector.load %arg0[%get3A, %get3A_0, %get3A_1] : memref<4x2048x128xf32, #tpu.memory_space<vmem>>, vector<4x2048x128xf32>
    %reduce_sum3A = arith.constant dense<0.000000e+00> : vector<4x128xf32>
    %reduce_sum3A_3 = vector.multi_reduction <add>, %get3A_2, %reduce_sum3A [1] : vector<4x2048x128xf32> to vector<4x128xf32>
    %get3A_4 = arith.constant 0 : index
    %get3A_5 = arith.constant 0 : index
    %get3A_6 = vector.load %arg2[%get3A_4, %get3A_5] : memref<128x128xf32, #tpu.memory_space<vmem>>, vector<128x128xf32>
    %dot_general3A = arith.constant dense<0.000000e+00> : vector<4x128xf32>
    %dot_general3A_7 = tpu.matmul %reduce_sum3A_3, %get3A_6, %dot_general3A {dimension_numbers = #tpu.dot_dimension_numbers<[1], [0], [0], [1], [0, 0, 1, 1], [], []>, transpose_lhs_hint = false} : vector<4x128xf32>, vector<128x128xf32>, vector<4x128xf32> -> vector<4x128xf32>
    %max3A = arith.constant 0.000000e+00 : f32
    %max3A_8 = vector.broadcast %max3A : f32 to vector<4x128xf32>
    %max3A_9 = arith.maximumf %dot_general3A_7, %max3A_8 : vector<4x128xf32>
    %dot_general3A_10 = arith.constant dense<0.000000e+00> : vector<4x2048xf32>
    %dot_general3A_11 = tpu.matmul %get3A_2, %max3A_9, %dot_general3A_10 {dimension_numbers = #tpu.dot_dimension_numbers<[2], [1], [1], [], [0, 0, 0, 1], [0], [0]>, transpose_lhs_hint = false} : vector<4x2048x128xf32>, vector<4x128xf32>, vector<4x2048xf32> -> vector<4x2048xf32>
    %reduce_max3A = arith.constant dense<0xFF800000> : vector<4xf32>
    %reduce_max3A_12 = vector.multi_reduction <maximumf>, %dot_general3A_11, %reduce_max3A [1] : vector<4x2048xf32> to vector<4xf32>
    %broadcast_in_dim3A = vector.shape_cast %reduce_max3A_12 : vector<4xf32> to vector<4x1xf32>
    %sub3A = vector.broadcast %broadcast_in_dim3A : vector<4x1xf32> to vector<4x2048xf32>
    %sub3A_13 = arith.subf %dot_general3A_11, %sub3A : vector<4x2048xf32>
    %exp3A = math.exp %sub3A_13 : vector<4x2048xf32>
    %reduce_sum3A_14 = arith.constant dense<0.000000e+00> : vector<4xf32>
    %reduce_sum3A_15 = vector.multi_reduction <add>, %exp3A, %reduce_sum3A_14 [1] : vector<4x2048xf32> to vector<4xf32>
    %broadcast_in_dim3A_16 = vector.shape_cast %reduce_sum3A_15 : vector<4xf32> to vector<4x1xf32>
    %div3A = vector.broadcast %broadcast_in_dim3A_16 : vector<4x1xf32> to vector<4x2048xf32>
    %div3A_17 = arith.divf %exp3A, %div3A : vector<4x2048xf32>
    %get3A_18 = arith.constant 0 : index
    %get3A_19 = arith.constant 0 : index
    %get3A_20 = vector.load %arg1[%get3A_18, %get3A_19] : memref<4x2048xf32, #tpu.memory_space<vmem>>, vector<4x2048xf32>
    %reduce_sum3A_21 = arith.constant dense<0.000000e+00> : vector<4xf32>
    %reduce_sum3A_22 = vector.multi_reduction <add>, %get3A_20, %reduce_sum3A_21 [1] : vector<4x2048xf32> to vector<4xf32>
    %broadcast_in_dim3A_23 = vector.shape_cast %reduce_sum3A_22 : vector<4xf32> to vector<4x1xf32>
    %mul3A = arith.constant 1.000000e-01 : f32
    %mul3A_24 = vector.broadcast %mul3A : f32 to vector<4x1xf32>
    %mul3A_25 = arith.mulf %mul3A_24, %broadcast_in_dim3A_23 : vector<4x1xf32>
    %ceil3A = math.ceil %mul3A_25 : vector<4x1xf32>
    %broadcast_in_dim3A_26 = vector.shape_cast %ceil3A : vector<4x1xf32> to vector<4x1xf32>
    %broadcast_in_dim3A_27 = vector.broadcast %broadcast_in_dim3A_26 : vector<4x1xf32> to vector<4x128xf32>
    %swap3A = arith.constant 0 : index
    %swap3A_28 = arith.constant 0 : index
    %swap3A_29 = vector.load %arg7[%swap3A, %swap3A_28] : memref<4x128xf32, #tpu.memory_space<vmem>>, vector<4x128xf32>
    tpu.vector_store %arg7[%swap3A, %swap3A_28], %broadcast_in_dim3A_27 {strides = array<i32>} : memref<4x128xf32, #tpu.memory_space<vmem>>, vector<4x128xf32>,
    %get3A_30 = arith.constant 0 : index
    %get3A_31 = arith.constant 0 : index
    %get3A_32 = arith.constant 0 : index
    %get3A_33 = vector.load %arg3[%get3A_30, %get3A_31, %get3A_32] : memref<4x2048x204xf32, #tpu.memory_space<vmem>>, vector<1x2048x204xf32>
    %get3A_34 = vector.shape_cast %get3A_33 : vector<1x2048x204xf32> to vector<2048x204xf32>
    %get3A_35 = arith.constant 0 : index
    %get3A_36 = arith.constant 0 : index
    %get3A_37 = arith.constant 0 : index
    %get3A_38 = vector.load %arg4[%get3A_35, %get3A_36, %get3A_37] : memref<4x204x128xf32, #tpu.memory_space<vmem>>, vector<1x204x128xf32>
    %get3A_39 = vector.shape_cast %get3A_38 : vector<1x204x128xf32> to vector<204x128xf32>
    %dot_general3A_40 = arith.constant dense<0.000000e+00> : vector<2048x128xf32>
    %dot_general3A_41 = tpu.matmul %get3A_34, %get3A_39, %dot_general3A_40 {dimension_numbers = #tpu.dot_dimension_numbers<[1], [0], [0], [1], [0, 0, 1, 1], [], []>, transpose_lhs_hint = false} : vector<2048x204xf32>, vector<204x128xf32>, vector<2048x128xf32> -> vector<2048x128xf32>
    %swap3A_42 = arith.constant 0 : index
    %swap3A_43 = arith.constant 0 : index
    %swap3A_44 = arith.constant 0 : index
    %swap3A_45 = vector.load %arg8[%swap3A_42, %swap3A_43, %swap3A_44] : memref<4x2048x128xf32, #tpu.memory_space<vmem>>, vector<1x2048x128xf32>
    %swap3A_46 = vector.shape_cast %swap3A_45 : vector<1x2048x128xf32> to vector<2048x128xf32>
    %swap3A_47 = vector.shape_cast %dot_general3A_41 : vector<2048x128xf32> to vector<1x2048x128xf32>
    tpu.vector_store %arg8[%swap3A_42, %swap3A_43, %swap3A_44], %swap3A_47 {strides = array<i32>} : memref<4x2048x128xf32, #tpu.memory_space<vmem>>, vector<1x2048x128xf32>,
    %get3A_48 = arith.constant 1 : index
    %get3A_49 = arith.constant 0 : index
    %get3A_50 = arith.constant 0 : index
    %get3A_51 = vector.load %arg3[%get3A_48, %get3A_49, %get3A_50] : memref<4x2048x204xf32, #tpu.memory_space<vmem>>, vector<1x2048x204xf32>
    %get3A_52 = vector.shape_cast %get3A_51 : vector<1x2048x204xf32> to vector<2048x204xf32>
    %get3A_53 = arith.constant 1 : index
    %get3A_54 = arith.constant 0 : index
    %get3A_55 = arith.constant 0 : index
    %get3A_56 = vector.load %arg4[%get3A_53, %get3A_54, %get3A_55] : memref<4x204x128xf32, #tpu.memory_space<vmem>>, vector<1x204x128xf32>
    %get3A_57 = vector.shape_cast %get3A_56 : vector<1x204x128xf32> to vector<204x128xf32>
    %dot_general3A_58 = arith.constant dense<0.000000e+00> : vector<2048x128xf32>
    %dot_general3A_59 = tpu.matmul %get3A_52, %get3A_57, %dot_general3A_58 {dimension_numbers = #tpu.dot_dimension_numbers<[1], [0], [0], [1], [0, 0, 1, 1], [], []>, transpose_lhs_hint = false} : vector<2048x204xf32>, vector<204x128xf32>, vector<2048x128xf32> -> vector<2048x128xf32>
    %swap3A_60 = arith.constant 1 : index
    %swap3A_61 = arith.constant 0 : index
    %swap3A_62 = arith.constant 0 : index
    %swap3A_63 = vector.load %arg8[%swap3A_60, %swap3A_61, %swap3A_62] : memref<4x2048x128xf32, #tpu.memory_space<vmem>>, vector<1x2048x128xf32>
    %swap3A_64 = vector.shape_cast %swap3A_63 : vector<1x2048x128xf32> to vector<2048x128xf32>
    %swap3A_65 = vector.shape_cast %dot_general3A_59 : vector<2048x128xf32> to vector<1x2048x128xf32>
    tpu.vector_store %arg8[%swap3A_60, %swap3A_61, %swap3A_62], %swap3A_65 {strides = array<i32>} : memref<4x2048x128xf32, #tpu.memory_space<vmem>>, vector<1x2048x128xf32>,
    %get3A_66 = arith.constant 2 : index
    %get3A_67 = arith.constant 0 : index
    %get3A_68 = arith.constant 0 : index
    %get3A_69 = vector.load %arg3[%get3A_66, %get3A_67, %get3A_68] : memref<4x2048x204xf32, #tpu.memory_space<vmem>>, vector<1x2048x204xf32>
    %get3A_70 = vector.shape_cast %get3A_69 : vector<1x2048x204xf32> to vector<2048x204xf32>
    %get3A_71 = arith.constant 2 : index
    %get3A_72 = arith.constant 0 : index
    %get3A_73 = arith.constant 0 : index
    %get3A_74 = vector.load %arg4[%get3A_71, %get3A_72, %get3A_73] : memref<4x204x128xf32, #tpu.memory_space<vmem>>, vector<1x204x128xf32>
    %get3A_75 = vector.shape_cast %get3A_74 : vector<1x204x128xf32> to vector<204x128xf32>
    %dot_general3A_76 = arith.constant dense<0.000000e+00> : vector<2048x128xf32>
    %dot_general3A_77 = tpu.matmul %get3A_70, %get3A_75, %dot_general3A_76 {dimension_numbers = #tpu.dot_dimension_numbers<[1], [0], [0], [1], [0, 0, 1, 1], [], []>, transpose_lhs_hint = false} : vector<2048x204xf32>, vector<204x128xf32>, vector<2048x128xf32> -> vector<2048x128xf32>
    %swap3A_78 = arith.constant 2 : index
    %swap3A_79 = arith.constant 0 : index
    %swap3A_80 = arith.constant 0 : index
    %swap3A_81 = vector.load %arg8[%swap3A_78, %swap3A_79, %swap3A_80] : memref<4x2048x128xf32, #tpu.memory_space<vmem>>, vector<1x2048x128xf32>
    %swap3A_82 = vector.shape_cast %swap3A_81 : vector<1x2048x128xf32> to vector<2048x128xf32>
    %swap3A_83 = vector.shape_cast %dot_general3A_77 : vector<2048x128xf32> to vector<1x2048x128xf32>
    tpu.vector_store %arg8[%swap3A_78, %swap3A_79, %swap3A_80], %swap3A_83 {strides = array<i32>} : memref<4x2048x128xf32, #tpu.memory_space<vmem>>, vector<1x2048x128xf32>,
    %get3A_84 = arith.constant 3 : index
    %get3A_85 = arith.constant 0 : index
    %get3A_86 = arith.constant 0 : index
    %get3A_87 = vector.load %arg3[%get3A_84, %get3A_85, %get3A_86] : memref<4x2048x204xf32, #tpu.memory_space<vmem>>, vector<1x2048x204xf32>
    %get3A_88 = vector.shape_cast %get3A_87 : vector<1x2048x204xf32> to vector<2048x204xf32>
    %get3A_89 = arith.constant 3 : index
    %get3A_90 = arith.constant 0 : index
    %get3A_91 = arith.constant 0 : index
    %get3A_92 = vector.load %arg4[%get3A_89, %get3A_90, %get3A_91] : memref<4x204x128xf32, #tpu.memory_space<vmem>>, vector<1x204x128xf32>
    %get3A_93 = vector.shape_cast %get3A_92 : vector<1x204x128xf32> to vector<204x128xf32>
    %dot_general3A_94 = arith.constant dense<0.000000e+00> : vector<2048x128xf32>
    %dot_general3A_95 = tpu.matmul %get3A_88, %get3A_93, %dot_general3A_94 {dimension_numbers = #tpu.dot_dimension_numbers<[1], [0], [0], [1], [0, 0, 1, 1], [], []>, transpose_lhs_hint = false} : vector<2048x204xf32>, vector<204x128xf32>, vector<2048x128xf32> -> vector<2048x128xf32>
    %swap3A_96 = arith.constant 3 : index
    %swap3A_97 = arith.constant 0 : index
    %swap3A_98 = arith.constant 0 : index
    %swap3A_99 = vector.load %arg8[%swap3A_96, %swap3A_97, %swap3A_98] : memref<4x2048x128xf32, #tpu.memory_space<vmem>>, vector<1x2048x128xf32>
    %swap3A_100 = vector.shape_cast %swap3A_99 : vector<1x2048x128xf32> to vector<2048x128xf32>
    %swap3A_101 = vector.shape_cast %dot_general3A_95 : vector<2048x128xf32> to vector<1x2048x128xf32>
    tpu.vector_store %arg8[%swap3A_96, %swap3A_97, %swap3A_98], %swap3A_101 {strides = array<i32>} : memref<4x2048x128xf32, #tpu.memory_space<vmem>>, vector<1x2048x128xf32>,
    %bitcast_convert_type3A = tpu.bitcast %div3A_17 : vector<4x2048xf32> -> vector<4x2048xi32>
    %broadcast_in_dim3A_102 = arith.constant 0 : i32
    %broadcast_in_dim3A_103 = vector.broadcast %broadcast_in_dim3A_102 : i32 to vector<4x1xi32>
    %scan3A = arith.constant 0 : i32
    %scan3A_104 = arith.constant 30 : i32
    %scan3A_105 = arith.addi %scan3A, %scan3A_104 : i32
    %scan3A_106 = arith.constant 1 : i32
    %scan3A_107 = scf.for %scan3A_271 = %scan3A to %scan3A_105 step %scan3A_106 iter_args(%scan3A_272 = %broadcast_in_dim3A_103) -> (vector<4x1xi32>)  : i32 {
      %sub3A_273 = arith.constant 29 : i32
      %sub3A_274 = arith.subi %sub3A_273, %scan3A_271 : i32
      %shift_left3A = arith.constant 1 : i32
      %shift_left3A_275 = arith.shli %shift_left3A, %sub3A_274 : i32
      %add3A_276 = vector.broadcast %shift_left3A_275 : i32 to vector<4x1xi32>
      %add3A_277 = arith.addi %scan3A_272, %add3A_276 : vector<4x1xi32>
      %ge3A_278 = vector.broadcast %add3A_277 : vector<4x1xi32> to vector<4x2048xi32>
      %ge3A_279 = arith.cmpi sge, %bitcast_convert_type3A, %ge3A_278 : vector<4x2048xi32>
      %jit3A_280 = arith.constant 1.000000e+00 : f32
      %jit3A_281 = arith.constant 0.000000e+00 : f32
      %broadcast_in_dim3A_282 = vector.broadcast %jit3A_280 : f32 to vector<4x2048xf32>
      %broadcast_in_dim3A_283 = vector.broadcast %jit3A_281 : f32 to vector<4x2048xf32>
      %select_n3A_284 = arith.select %ge3A_279, %broadcast_in_dim3A_282, %broadcast_in_dim3A_283 : vector<4x2048xi1>, vector<4x2048xf32>
      %reduce_sum3A_285 = arith.constant dense<0.000000e+00> : vector<4xf32>
      %reduce_sum3A_286 = vector.multi_reduction <add>, %select_n3A_284, %reduce_sum3A_285 [1] : vector<4x2048xf32> to vector<4xf32>
      %broadcast_in_dim3A_287 = vector.shape_cast %reduce_sum3A_286 : vector<4xf32> to vector<4x1xf32>
      %ge3A_288 = arith.constant 2.050000e+02 : f32
      %ge3A_289 = vector.broadcast %ge3A_288 : f32 to vector<4x1xf32>
      %ge3A_290 = arith.cmpf oge, %broadcast_in_dim3A_287, %ge3A_289 : vector<4x1xf32>
      %select_n3A_291 = arith.select %ge3A_290, %add3A_277, %scan3A_272 : vector<4x1xi1>, vector<4x1xi32>
      scf.yield %select_n3A_291 : vector<4x1xi32>
    }
    %scan3A_108 = arith.constant 30 : i32
    %gt3A = vector.broadcast %scan3A_107 : vector<4x1xi32> to vector<4x2048xi32>
    %gt3A_109 = arith.cmpi sgt, %bitcast_convert_type3A, %gt3A : vector<4x2048xi32>
    %eq3A = vector.broadcast %scan3A_107 : vector<4x1xi32> to vector<4x2048xi32>
    %eq3A_110 = arith.cmpi eq, %bitcast_convert_type3A, %eq3A : vector<4x2048xi32>
    %jit3A = arith.constant 1.000000e+00 : f32
    %jit3A_111 = arith.constant 0.000000e+00 : f32
    %broadcast_in_dim3A_112 = vector.broadcast %jit3A : f32 to vector<4x2048xf32>
    %broadcast_in_dim3A_113 = vector.broadcast %jit3A_111 : f32 to vector<4x2048xf32>
    %select_n3A = arith.select %gt3A_109, %broadcast_in_dim3A_112, %broadcast_in_dim3A_113 : vector<4x2048xi1>, vector<4x2048xf32>
    %jit3A_114 = arith.constant 1.000000e+00 : f32
    %jit3A_115 = arith.constant 0.000000e+00 : f32
    %broadcast_in_dim3A_116 = vector.broadcast %jit3A_114 : f32 to vector<4x2048xf32>
    %broadcast_in_dim3A_117 = vector.broadcast %jit3A_115 : f32 to vector<4x2048xf32>
    %select_n3A_118 = arith.select %eq3A_110, %broadcast_in_dim3A_116, %broadcast_in_dim3A_117 : vector<4x2048xi1>, vector<4x2048xf32>
    %reduce_sum3A_119 = arith.constant dense<0.000000e+00> : vector<4xf32>
    %reduce_sum3A_120 = vector.multi_reduction <add>, %select_n3A, %reduce_sum3A_119 [1] : vector<4x2048xf32> to vector<4xf32>
    %broadcast_in_dim3A_121 = vector.shape_cast %reduce_sum3A_120 : vector<4xf32> to vector<4x1xf32>
    %reshape3A = vector.shape_cast %select_n3A_118 : vector<4x2048xf32> to vector<4x16x128xf32>
    %iota3A = tpu.iota {dimensions = array<i32: 0>} : vector<128x128xi32>
    %iota3A_122 = tpu.iota {dimensions = array<i32: 1>} : vector<128x128xi32>
    %le3A = arith.cmpi sle, %iota3A, %iota3A_122 : vector<128x128xi32>
    %jit3A_123 = arith.constant 1.000000e+00 : f32
    %jit3A_124 = arith.constant 0.000000e+00 : f32
    %broadcast_in_dim3A_125 = vector.broadcast %jit3A_123 : f32 to vector<128x128xf32>
    %broadcast_in_dim3A_126 = vector.broadcast %jit3A_124 : f32 to vector<128x128xf32>
    %select_n3A_127 = arith.select %le3A, %broadcast_in_dim3A_125, %broadcast_in_dim3A_126 : vector<128x128xi1>, vector<128x128xf32>
    %dot_general3A_128 = arith.constant dense<0.000000e+00> : vector<4x16x128xf32>
    %dot_general3A_129 = tpu.matmul %reshape3A, %select_n3A_127, %dot_general3A_128 {dimension_numbers = #tpu.dot_dimension_numbers<[2], [0], [0, 1], [1], [0, 0, 0, 1, 1, 1], [], []>, precision = #tpu.contract_precision<fp32>, transpose_lhs_hint = false} : vector<4x16x128xf32>, vector<128x128xf32>, vector<4x16x128xf32> -> vector<4x16x128xf32>
    %reduce_sum3A_130 = arith.constant dense<0.000000e+00> : vector<4x16xf32>
    %reduce_sum3A_131 = vector.multi_reduction <add>, %reshape3A, %reduce_sum3A_130 [2] : vector<4x16x128xf32> to vector<4x16xf32>
    %iota3A_132 = tpu.iota {dimensions = array<i32: 0>} : vector<16x16xi32>
    %iota3A_133 = tpu.iota {dimensions = array<i32: 1>} : vector<16x16xi32>
    %lt3A = arith.cmpi slt, %iota3A_132, %iota3A_133 : vector<16x16xi32>
    %jit3A_134 = arith.constant 1.000000e+00 : f32
    %jit3A_135 = arith.constant 0.000000e+00 : f32
    %broadcast_in_dim3A_136 = vector.broadcast %jit3A_134 : f32 to vector<16x16xf32>
    %broadcast_in_dim3A_137 = vector.broadcast %jit3A_135 : f32 to vector<16x16xf32>
    %select_n3A_138 = arith.select %lt3A, %broadcast_in_dim3A_136, %broadcast_in_dim3A_137 : vector<16x16xi1>, vector<16x16xf32>
    %dot_general3A_139 = arith.constant dense<0.000000e+00> : vector<4x16xf32>
    %dot_general3A_140 = tpu.matmul %reduce_sum3A_131, %select_n3A_138, %dot_general3A_139 {dimension_numbers = #tpu.dot_dimension_numbers<[1], [0], [0], [1], [0, 0, 1, 1], [], []>, precision = #tpu.contract_precision<fp32>, transpose_lhs_hint = false} : vector<4x16xf32>, vector<16x16xf32>, vector<4x16xf32> -> vector<4x16xf32>
    %broadcast_in_dim3A_141 = vector.shape_cast %dot_general3A_140 : vector<4x16xf32> to vector<4x16x1xf32>
    %add3A = vector.broadcast %broadcast_in_dim3A_141 : vector<4x16x1xf32> to vector<4x16x128xf32>
    %add3A_142 = arith.addf %dot_general3A_129, %add3A : vector<4x16x128xf32>
    %reshape3A_143 = vector.shape_cast %add3A_142 : vector<4x16x128xf32> to vector<4x2048xf32>
    %jit3A_144 = arith.constant 1.000000e+00 : f32
    %jit3A_145 = arith.constant 0.000000e+00 : f32
    %broadcast_in_dim3A_146 = vector.broadcast %jit3A_144 : f32 to vector<4x2048xf32>
    %broadcast_in_dim3A_147 = vector.broadcast %jit3A_145 : f32 to vector<4x2048xf32>
    %select_n3A_148 = arith.select %eq3A_110, %broadcast_in_dim3A_146, %broadcast_in_dim3A_147 : vector<4x2048xi1>, vector<4x2048xf32>
    %sub3A_149 = arith.constant 2.050000e+02 : f32
    %sub3A_150 = vector.broadcast %sub3A_149 : f32 to vector<4x1xf32>
    %sub3A_151 = arith.subf %sub3A_150, %broadcast_in_dim3A_121 : vector<4x1xf32>
    %le3A_152 = vector.broadcast %sub3A_151 : vector<4x1xf32> to vector<4x2048xf32>
    %le3A_153 = arith.cmpf ole, %reshape3A_143, %le3A_152 : vector<4x2048xf32>
    %jit3A_154 = arith.constant 1.000000e+00 : f32
    %jit3A_155 = arith.constant 0.000000e+00 : f32
    %broadcast_in_dim3A_156 = vector.broadcast %jit3A_154 : f32 to vector<4x2048xf32>
    %broadcast_in_dim3A_157 = vector.broadcast %jit3A_155 : f32 to vector<4x2048xf32>
    %select_n3A_158 = arith.select %le3A_153, %broadcast_in_dim3A_156, %broadcast_in_dim3A_157 : vector<4x2048xi1>, vector<4x2048xf32>
    %mul3A_159 = arith.mulf %select_n3A_148, %select_n3A_158 : vector<4x2048xf32>
    %jit3A_160 = arith.constant 1.000000e+00 : f32
    %broadcast_in_dim3A_161 = vector.broadcast %jit3A_160 : f32 to vector<4x2048xf32>
    %select_n3A_162 = arith.select %gt3A_109, %broadcast_in_dim3A_161, %mul3A_159 : vector<4x2048xi1>, vector<4x2048xf32>
    %reshape3A_163 = vector.shape_cast %select_n3A_162 : vector<4x2048xf32> to vector<4x16x128xf32>
    %iota3A_164 = tpu.iota {dimensions = array<i32: 0>} : vector<128x128xi32>
    %iota3A_165 = tpu.iota {dimensions = array<i32: 1>} : vector<128x128xi32>
    %le3A_166 = arith.cmpi sle, %iota3A_164, %iota3A_165 : vector<128x128xi32>
    %jit3A_167 = arith.constant 1.000000e+00 : f32
    %jit3A_168 = arith.constant 0.000000e+00 : f32
    %broadcast_in_dim3A_169 = vector.broadcast %jit3A_167 : f32 to vector<128x128xf32>
    %broadcast_in_dim3A_170 = vector.broadcast %jit3A_168 : f32 to vector<128x128xf32>
    %select_n3A_171 = arith.select %le3A_166, %broadcast_in_dim3A_169, %broadcast_in_dim3A_170 : vector<128x128xi1>, vector<128x128xf32>
    %dot_general3A_172 = arith.constant dense<0.000000e+00> : vector<4x16x128xf32>
    %dot_general3A_173 = tpu.matmul %reshape3A_163, %select_n3A_171, %dot_general3A_172 {dimension_numbers = #tpu.dot_dimension_numbers<[2], [0], [0, 1], [1], [0, 0, 0, 1, 1, 1], [], []>, precision = #tpu.contract_precision<fp32>, transpose_lhs_hint = false} : vector<4x16x128xf32>, vector<128x128xf32>, vector<4x16x128xf32> -> vector<4x16x128xf32>
    %reduce_sum3A_174 = arith.constant dense<0.000000e+00> : vector<4x16xf32>
    %reduce_sum3A_175 = vector.multi_reduction <add>, %reshape3A_163, %reduce_sum3A_174 [2] : vector<4x16x128xf32> to vector<4x16xf32>
    %iota3A_176 = tpu.iota {dimensions = array<i32: 0>} : vector<16x16xi32>
    %iota3A_177 = tpu.iota {dimensions = array<i32: 1>} : vector<16x16xi32>
    %lt3A_178 = arith.cmpi slt, %iota3A_176, %iota3A_177 : vector<16x16xi32>
    %jit3A_179 = arith.constant 1.000000e+00 : f32
    %jit3A_180 = arith.constant 0.000000e+00 : f32
    %broadcast_in_dim3A_181 = vector.broadcast %jit3A_179 : f32 to vector<16x16xf32>
    %broadcast_in_dim3A_182 = vector.broadcast %jit3A_180 : f32 to vector<16x16xf32>
    %select_n3A_183 = arith.select %lt3A_178, %broadcast_in_dim3A_181, %broadcast_in_dim3A_182 : vector<16x16xi1>, vector<16x16xf32>
    %dot_general3A_184 = arith.constant dense<0.000000e+00> : vector<4x16xf32>
    %dot_general3A_185 = tpu.matmul %reduce_sum3A_175, %select_n3A_183, %dot_general3A_184 {dimension_numbers = #tpu.dot_dimension_numbers<[1], [0], [0], [1], [0, 0, 1, 1], [], []>, precision = #tpu.contract_precision<fp32>, transpose_lhs_hint = false} : vector<4x16xf32>, vector<16x16xf32>, vector<4x16xf32> -> vector<4x16xf32>
    %broadcast_in_dim3A_186 = vector.shape_cast %dot_general3A_185 : vector<4x16xf32> to vector<4x16x1xf32>
    %add3A_187 = vector.broadcast %broadcast_in_dim3A_186 : vector<4x16x1xf32> to vector<4x16x128xf32>
    %add3A_188 = arith.addf %dot_general3A_173, %add3A_187 : vector<4x16x128xf32>
    %reshape3A_189 = vector.shape_cast %add3A_188 : vector<4x16x128xf32> to vector<4x2048xf32>
    %sub3A_190 = arith.constant 1.000000e+00 : f32
    %sub3A_191 = vector.broadcast %sub3A_190 : f32 to vector<4x2048xf32>
    %sub3A_192 = arith.subf %reshape3A_189, %sub3A_191 : vector<4x2048xf32>
    %gt3A_193 = arith.constant 0.000000e+00 : f32
    %gt3A_194 = vector.broadcast %gt3A_193 : f32 to vector<4x2048xf32>
    %gt3A_195 = arith.cmpf ogt, %select_n3A_162, %gt3A_194 : vector<4x2048xf32>
    %jit3A_196 = arith.constant -1.000000e+00 : f32
    %broadcast_in_dim3A_197 = vector.broadcast %jit3A_196 : f32 to vector<4x2048xf32>
    %select_n3A_198 = arith.select %gt3A_195, %sub3A_192, %broadcast_in_dim3A_197 : vector<4x2048xi1>, vector<4x2048xf32>
    %iota3A_199 = tpu.iota {dimensions = array<i32: 2>} : vector<1x1x256xi32>
    %convert_element_type3A = arith.sitofp %iota3A_199 : vector<1x1x256xi32> to vector<1x1x256xf32>
    %broadcast_in_dim3A_200 = vector.shape_cast %select_n3A_198 : vector<4x2048xf32> to vector<4x2048x1xf32>
    %eq3A_201 = vector.broadcast %broadcast_in_dim3A_200 : vector<4x2048x1xf32> to vector<4x2048x256xf32>
    %eq3A_202 = vector.broadcast %convert_element_type3A : vector<1x1x256xf32> to vector<4x2048x256xf32>
    %eq3A_203 = arith.cmpf oeq, %eq3A_201, %eq3A_202 : vector<4x2048x256xf32>
    %jit3A_204 = arith.constant 1.000000e+00 : f32
    %jit3A_205 = arith.constant 0.000000e+00 : f32
    %broadcast_in_dim3A_206 = vector.broadcast %jit3A_204 : f32 to vector<4x2048x256xf32>
    %broadcast_in_dim3A_207 = vector.broadcast %jit3A_205 : f32 to vector<4x2048x256xf32>
    %select_n3A_208 = arith.select %eq3A_203, %broadcast_in_dim3A_206, %broadcast_in_dim3A_207 : vector<4x2048x256xi1>, vector<4x2048x256xf32>
    %dot_general3A_209 = arith.constant dense<0.000000e+00> : vector<4x256xf32>
    %dot_general3A_210 = tpu.matmul %div3A_17, %select_n3A_208, %dot_general3A_209 {dimension_numbers = #tpu.dot_dimension_numbers<[1], [1], [], [2], [0, 0, 1, 2], [0], [0]>, precision = #tpu.contract_precision<fp32>, transpose_lhs_hint = false} : vector<4x2048xf32>, vector<4x2048x256xf32>, vector<4x256xf32> -> vector<4x256xf32>
    %iota3A_211 = tpu.iota {dimensions = array<i32: 1>} : vector<4x2048xi32>
    %convert_element_type3A_212 = arith.sitofp %iota3A_211 : vector<4x2048xi32> to vector<4x2048xf32>
    %dot_general3A_213 = arith.constant dense<0.000000e+00> : vector<4x256xf32>
    %dot_general3A_214 = tpu.matmul %convert_element_type3A_212, %select_n3A_208, %dot_general3A_213 {dimension_numbers = #tpu.dot_dimension_numbers<[1], [1], [], [2], [0, 0, 1, 2], [0], [0]>, precision = #tpu.contract_precision<fp32>, transpose_lhs_hint = false} : vector<4x2048xf32>, vector<4x2048x256xf32>, vector<4x256xf32> -> vector<4x256xf32>
    %iota3A_215 = tpu.iota {dimensions = array<i32: 1>} : vector<4x256xi32>
    %ge3A = arith.constant 205 : i32
    %ge3A_216 = vector.broadcast %ge3A : i32 to vector<4x256xi32>
    %ge3A_217 = arith.cmpi sge, %iota3A_215, %ge3A_216 : vector<4x256xi32>
    %jit3A_218 = arith.constant -1.000000e+00 : f32
    %broadcast_in_dim3A_219 = vector.broadcast %jit3A_218 : f32 to vector<4x256xf32>
    %select_n3A_220 = arith.select %ge3A_217, %broadcast_in_dim3A_219, %dot_general3A_210 : vector<4x256xi1>, vector<4x256xf32>
    %iota3A_221 = tpu.iota {dimensions = array<i32: 1>} : vector<4x256xi32>
    %convert_element_type3A_222 = arith.sitofp %iota3A_221 : vector<4x256xi32> to vector<4x256xf32>
    %select_n3A_223 = arith.select %ge3A_217, %convert_element_type3A_222, %dot_general3A_214 : vector<4x256xi1>, vector<4x256xf32>
    %broadcast_in_dim3A_224 = vector.shape_cast %select_n3A_220 : vector<4x256xf32> to vector<4x256x1xf32>
    %broadcast_in_dim3A_225 = vector.shape_cast %select_n3A_220 : vector<4x256xf32> to vector<4x1x256xf32>
    %iota3A_226 = tpu.iota {dimensions = array<i32: 1>} : vector<1x256x256xi32>
    %iota3A_227 = tpu.iota {dimensions = array<i32: 2>} : vector<1x256x256xi32>
    %lt3A_228 = arith.cmpi slt, %iota3A_226, %iota3A_227 : vector<1x256x256xi32>
    %gt3A_229 = vector.broadcast %broadcast_in_dim3A_224 : vector<4x256x1xf32> to vector<4x256x256xf32>
    %gt3A_230 = vector.broadcast %broadcast_in_dim3A_225 : vector<4x1x256xf32> to vector<4x256x256xf32>
    %gt3A_231 = arith.cmpf ogt, %gt3A_229, %gt3A_230 : vector<4x256x256xf32>
    %eq3A_232 = vector.broadcast %broadcast_in_dim3A_224 : vector<4x256x1xf32> to vector<4x256x256xf32>
    %eq3A_233 = vector.broadcast %broadcast_in_dim3A_225 : vector<4x1x256xf32> to vector<4x256x256xf32>
    %eq3A_234 = arith.cmpf oeq, %eq3A_232, %eq3A_233 : vector<4x256x256xf32>
    %and3A = vector.broadcast %lt3A_228 : vector<1x256x256xi1> to vector<4x256x256xi1>
    %and3A_235 = arith.andi %eq3A_234, %and3A : vector<4x256x256xi1>
    %jit3A_236 = arith.constant 1.000000e+00 : f32
    %jit3A_237 = arith.constant 0.000000e+00 : f32
    %broadcast_in_dim3A_238 = vector.broadcast %jit3A_236 : f32 to vector<4x256x256xf32>
    %broadcast_in_dim3A_239 = vector.broadcast %jit3A_237 : f32 to vector<4x256x256xf32>
    %select_n3A_240 = arith.select %and3A_235, %broadcast_in_dim3A_238, %broadcast_in_dim3A_239 : vector<4x256x256xi1>, vector<4x256x256xf32>
    %jit3A_241 = arith.constant 1.000000e+00 : f32
    %broadcast_in_dim3A_242 = vector.broadcast %jit3A_241 : f32 to vector<4x256x256xf32>
    %select_n3A_243 = arith.select %gt3A_231, %broadcast_in_dim3A_242, %select_n3A_240 : vector<4x256x256xi1>, vector<4x256x256xf32>
    %broadcast_in_dim3A_244 = arith.constant 1.000000e+00 : f32
    %broadcast_in_dim3A_245 = vector.broadcast %broadcast_in_dim3A_244 : f32 to vector<4x256xf32>
    %dot_general3A_246 = arith.constant dense<0.000000e+00> : vector<4x256xf32>
    %dot_general3A_247 = tpu.matmul %broadcast_in_dim3A_245, %select_n3A_243, %dot_general3A_246 {dimension_numbers = #tpu.dot_dimension_numbers<[1], [1], [], [2], [0, 0, 1, 2], [0], [0]>, precision = #tpu.contract_precision<fp32>, transpose_lhs_hint = false} : vector<4x256xf32>, vector<4x256x256xf32>, vector<4x256xf32> -> vector<4x256xf32>
    %broadcast_in_dim3A_248 = vector.shape_cast %dot_general3A_247 : vector<4x256xf32> to vector<4x256x1xf32>
    %eq3A_249 = vector.broadcast %broadcast_in_dim3A_248 : vector<4x256x1xf32> to vector<4x256x256xf32>
    %eq3A_250 = vector.broadcast %convert_element_type3A : vector<1x1x256xf32> to vector<4x256x256xf32>
    %eq3A_251 = arith.cmpf oeq, %eq3A_249, %eq3A_250 : vector<4x256x256xf32>
    %jit3A_252 = arith.constant 1.000000e+00 : f32
    %jit3A_253 = arith.constant 0.000000e+00 : f32
    %broadcast_in_dim3A_254 = vector.broadcast %jit3A_252 : f32 to vector<4x256x256xf32>
    %broadcast_in_dim3A_255 = vector.broadcast %jit3A_253 : f32 to vector<4x256x256xf32>
    %select_n3A_256 = arith.select %eq3A_251, %broadcast_in_dim3A_254, %broadcast_in_dim3A_255 : vector<4x256x256xi1>, vector<4x256x256xf32>
    %dot_general3A_257 = arith.constant dense<0.000000e+00> : vector<4x256xf32>
    %dot_general3A_258 = tpu.matmul %select_n3A_223, %select_n3A_256, %dot_general3A_257 {dimension_numbers = #tpu.dot_dimension_numbers<[1], [1], [], [2], [0, 0, 1, 2], [0], [0]>, precision = #tpu.contract_precision<fp32>, transpose_lhs_hint = false} : vector<4x256xf32>, vector<4x256x256xf32>, vector<4x256xf32> -> vector<4x256xf32>
    %convert_element_type3A_259 = arith.fptosi %dot_general3A_258 : vector<4x256xf32> to vector<4x256xi32>
    %swap3A_260 = arith.constant 0 : index
    %swap3A_261 = arith.constant 0 : index
    %swap3A_262 = vector.load %arg5[%swap3A_260, %swap3A_261] : memref<4x256xi32, #tpu.memory_space<vmem>>, vector<4x256xi32>
    tpu.vector_store %arg5[%swap3A_260, %swap3A_261], %convert_element_type3A_259 {strides = array<i32>} : memref<4x256xi32, #tpu.memory_space<vmem>>, vector<4x256xi32>,
    %iota3A_263 = tpu.iota {dimensions = array<i32: 0>} : vector<4x256xi32>
    %mul3A_264 = arith.constant 2048 : i32
    %mul3A_265 = vector.broadcast %mul3A_264 : i32 to vector<4x256xi32>
    %mul3A_266 = arith.muli %iota3A_263, %mul3A_265 : vector<4x256xi32>
    %add3A_267 = arith.addi %convert_element_type3A_259, %mul3A_266 : vector<4x256xi32>
    %swap3A_268 = arith.constant 0 : index
    %swap3A_269 = arith.constant 0 : index
    %swap3A_270 = vector.load %arg6[%swap3A_268, %swap3A_269] : memref<4x256xi32, #tpu.memory_space<vmem>>, vector<4x256xi32>
    tpu.vector_store %arg6[%swap3A_268, %swap3A_269], %add3A_267 {strides = array<i32>} : memref<4x256xi32, #tpu.memory_space<vmem>>, vector<4x256xi32>,
    return
  }
}

module attributes {stable_mosaic.version = 14 : i64} {
  func.func @_matmul_body(%arg0: i32, %arg1: memref<1x256x2048xf32, #tpu.memory_space<vmem>>, %arg2: memref<1x2048x128xf32, #tpu.memory_space<vmem>>, %arg3: memref<1x256x128xf32, #tpu.memory_space<vmem>>, %arg4: memref<128x128xf32, #tpu.memory_space<vmem>>, %arg5: memref<1x1x128xf32, #tpu.memory_space<vmem>>, %arg6: memref<1x256x128xf32, #tpu.memory_space<vmem>>) attributes {dimension_semantics = [#tpu.dimension_semantics<arbitrary>], iteration_bounds = array<i64: 4>, scalar_prefetch = 0 : i64, scratch_operands = 0 : i64, tpu.core_type = #tpu.core_type<tc>, window_params = [{transform_indices = @transform_0, window_bounds = array<i64: 1, 256, 2048>}, {transform_indices = @transform_1, window_bounds = array<i64: 1, 2048, 128>}, {transform_indices = @transform_2, window_bounds = array<i64: 1, 256, 128>}, {pipeline_mode = #tpu.pipeline_mode<synchronous>, transform_indices = @transform_3, window_bounds = array<i64: 128, 128>}, {transform_indices = @transform_4, window_bounds = array<i64: 1, 1, 128>}, {transform_indices = @transform_5, window_bounds = array<i64: 1, 256, 128>}]} {
    %get3A = arith.constant 0 : index
    %get3A_0 = arith.constant 0 : index
    %get3A_1 = arith.constant 0 : index
    %get3A_2 = vector.load %arg1[%get3A, %get3A_0, %get3A_1] : memref<1x256x2048xf32, #tpu.memory_space<vmem>>, vector<1x256x2048xf32>
    %get3A_3 = vector.shape_cast %get3A_2 : vector<1x256x2048xf32> to vector<256x2048xf32>
    %get3A_4 = arith.constant 0 : index
    %get3A_5 = arith.constant 0 : index
    %get3A_6 = arith.constant 0 : index
    %get3A_7 = vector.load %arg2[%get3A_4, %get3A_5, %get3A_6] : memref<1x2048x128xf32, #tpu.memory_space<vmem>>, vector<1x2048x128xf32>
    %get3A_8 = vector.shape_cast %get3A_7 : vector<1x2048x128xf32> to vector<2048x128xf32>
    %dot_general3A = arith.constant dense<0.000000e+00> : vector<256x128xf32>
    %dot_general3A_9 = tpu.matmul %get3A_3, %get3A_8, %dot_general3A {dimension_numbers = #tpu.dot_dimension_numbers<[1], [0], [0], [1], [0, 0, 1, 1], [], []>, transpose_lhs_hint = false} : vector<256x2048xf32>, vector<2048x128xf32>, vector<256x128xf32> -> vector<256x128xf32>
    %get3A_10 = arith.constant 0 : index
    %get3A_11 = arith.constant 0 : index
    %get3A_12 = arith.constant 0 : index
    %get3A_13 = vector.load %arg3[%get3A_10, %get3A_11, %get3A_12] : memref<1x256x128xf32, #tpu.memory_space<vmem>>, vector<1x256x128xf32>
    %get3A_14 = vector.shape_cast %get3A_13 : vector<1x256x128xf32> to vector<256x128xf32>
    %add3A = arith.addf %dot_general3A_9, %get3A_14 : vector<256x128xf32>
    %get3A_15 = arith.constant 0 : index
    %get3A_16 = arith.constant 0 : index
    %get3A_17 = arith.constant 0 : index
    %get3A_18 = vector.load %arg5[%get3A_15, %get3A_16, %get3A_17] : memref<1x1x128xf32, #tpu.memory_space<vmem>>, vector<1x1x1xf32>
    %get3A_19 = vector.extract %get3A_18[0, 0, 0] : f32 from vector<1x1x1xf32>
    %iota3A = tpu.iota {dimensions = array<i32: 0>} : vector<256x1xi32>
    %convert_element_type3A = arith.sitofp %iota3A : vector<256x1xi32> to vector<256x1xf32>
    %lt3A = vector.broadcast %get3A_19 : f32 to vector<256x1xf32>
    %lt3A_20 = arith.cmpf olt, %convert_element_type3A, %lt3A : vector<256x1xf32>
    %jit3A = arith.constant 0.000000e+00 : f32
    %broadcast_in_dim3A = vector.shape_cast %lt3A_20 : vector<256x1xi1> to vector<256x1xi1>
    %broadcast_in_dim3A_21 = vector.broadcast %broadcast_in_dim3A : vector<256x1xi1> to vector<256x128xi1>
    %broadcast_in_dim3A_22 = vector.broadcast %jit3A : f32 to vector<256x128xf32>
    %select_n3A = arith.select %broadcast_in_dim3A_21, %add3A, %broadcast_in_dim3A_22 : vector<256x128xi1>, vector<256x128xf32>
    %get3A_23 = arith.constant 0 : index
    %get3A_24 = arith.constant 0 : index
    %get3A_25 = vector.load %arg4[%get3A_23, %get3A_24] : memref<128x128xf32, #tpu.memory_space<vmem>>, vector<128x128xf32>
    %dot_general3A_26 = arith.constant dense<0.000000e+00> : vector<256x128xf32>
    %dot_general3A_27 = tpu.matmul %select_n3A, %get3A_25, %dot_general3A_26 {dimension_numbers = #tpu.dot_dimension_numbers<[1], [0], [0], [1], [0, 0, 1, 1], [], []>, transpose_lhs_hint = false} : vector<256x128xf32>, vector<128x128xf32>, vector<256x128xf32> -> vector<256x128xf32>
    %max3A = arith.constant 0.000000e+00 : f32
    %max3A_28 = vector.broadcast %max3A : f32 to vector<256x128xf32>
    %max3A_29 = arith.maximumf %dot_general3A_27, %max3A_28 : vector<256x128xf32>
    %swap3A = arith.constant 0 : index
    %swap3A_30 = arith.constant 0 : index
    %swap3A_31 = arith.constant 0 : index
    %swap3A_32 = vector.load %arg6[%swap3A, %swap3A_30, %swap3A_31] : memref<1x256x128xf32, #tpu.memory_space<vmem>>, vector<1x256x128xf32>
    %swap3A_33 = vector.shape_cast %swap3A_32 : vector<1x256x128xf32> to vector<256x128xf32>
    %swap3A_34 = vector.shape_cast %max3A_29 : vector<256x128xf32> to vector<1x256x128xf32>
    tpu.vector_store %arg6[%swap3A, %swap3A_30, %swap3A_31], %swap3A_34 {strides = array<i32>} : memref<1x256x128xf32, #tpu.memory_space<vmem>>, vector<1x256x128xf32>,
    return
  }
  func.func @transform_0(%arg0: i32) -> (i32, i32, i32) {
    %c0_i32 = arith.constant 0 : i32
    %c0_i32_0 = arith.constant 0 : i32
    %c0_i32_1 = arith.constant 0 : i32
    return %arg0, %c0_i32, %c0_i32_0 : i32, i32, i32
  }
  func.func @transform_1(%arg0: i32) -> (i32, i32, i32) {
    %c0_i32 = arith.constant 0 : i32
    %c0_i32_0 = arith.constant 0 : i32
    %c0_i32_1 = arith.constant 0 : i32
    return %arg0, %c0_i32, %c0_i32_0 : i32, i32, i32
  }
  func.func @transform_2(%arg0: i32) -> (i32, i32, i32) {
    %c0_i32 = arith.constant 0 : i32
    %c0_i32_0 = arith.constant 0 : i32
    %c0_i32_1 = arith.constant 0 : i32
    return %arg0, %c0_i32, %c0_i32_0 : i32, i32, i32
  }
  func.func @transform_3(%arg0: i32) -> (i32, i32) {
    %c0_i32 = arith.constant 0 : i32
    %c0_i32_0 = arith.constant 0 : i32
    %c0_i32_1 = arith.constant 0 : i32
    return %c0_i32, %c0_i32_0 : i32, i32
  }
  func.func @transform_4(%arg0: i32) -> (i32, i32, i32) {
    %c0_i32 = arith.constant 0 : i32
    %c0_i32_0 = arith.constant 0 : i32
    %c0_i32_1 = arith.constant 0 : i32
    return %arg0, %c0_i32, %c0_i32_0 : i32, i32, i32
  }
  func.func @transform_5(%arg0: i32) -> (i32, i32, i32) {
    %c0_i32 = arith.constant 0 : i32
    %c0_i32_0 = arith.constant 0 : i32
    %c0_i32_1 = arith.constant 0 : i32
    return %arg0, %c0_i32, %c0_i32_0 : i32, i32, i32
  }
}

</mosaic_0001>

<sc_bundles>
// kernel: kernel.5.cloned.1.call-start
scs
__scs_entry_jumppad:
0x0: {  	(pc) =	sbr.rel $0x88, $3  }
0x1: {  	(tag) =	ssettag $0x0;
	lr =	simm.s32 $0x1  }
0x2: {  	[smem:$0x3F9A] =	sst lr;
	_ =	strace $0xD0000000  }
0x3: {  	_ = 	snop  }
0x4: {  	_ = 	snop  }
0x5: {  	_ = 	snop  }
0x6: {  	_ = 	snop  }
0x7: {  	_ = 	snop  }
__scs_overlays_trampoline_lowered:
0x8: {  	[smem:$0x3FA9] =	sst s0  }
0x9: {  	[smem:$0x3FAA] =	sst s1  }
0xa: {  	[smem:$0x3FAB] =	sst s2  }
0xb: {  	[smem:$0x3FAC] =	sst s3  }
0xc: {  	[smem:$0x3FAD] =	sst s4  }
0xd: {  	[smem:$0x3FAE] =	sst s5  }
0xe: {  	[smem:$0x3FAF] =	sst s6  }
0xf: {  	[smem:$0x3FB0] =	sst s7  }
0x10: {  	[smem:$0x3FB1] =	sst s8  }
0x11: {  	[smem:$0x3FB2] =	sst s9;
	s0 =	simm.s32 @!p0 $0x0  }
0x12: {  	s1 =	sld [smem:$0x3F98];
	s0 =	simm.s32 @p0 $0x1  }
0x13: {  	[smem:$0x3FB3] =	sst s0;
	s0 =	simm.s32 @!p1 $0x0  }
0x14: {  	s2 =	sld [smem:$0x3F97];
	s0 =	simm.s32 @p1 $0x1  }
0x15: {  	[smem:$0x3FB4] =	sst s0;
	s0 =	simm.s32 @!p2 $0x0  }
0x16: {  	s3 =	sld [smem:$0x3FDB];
	s0 =	simm.s32 @p2 $0x1  }
0x17: {  	s4 =	simm.s32 $0x1BF5;
	[smem:$0x3FB6] =	sst s0  }
0x18: {  	s0 =	sld [smem:$0x3F99];
	_ =	swait.ge [sflag:s4], $0x0  }
0x19: {  	s7 =	sld [smem:$0x3F9A]  }
0x1a: {  	s8 =	sadd.s32 $0xFFFFE003, lr  }
0x1b: {  	s9 =	sadd.s32 $0xFFFFFEF7, lr;
	s5 =	simm.s32 $0xFFFFFFFF;
	p2 =	slt.u32 s8, $0xFFFFF086  }
0x1c: {  	p1 =	slt.u32 s9, $0xF7A;
	s5 =	simm.s32 @!p2 $0x0  }
0x1d: {  	s5 =	simm.s32 @p1 $0x1;
	p0 =	seq.s32 s7, s2  }
0x1e: {  	s7 =	smul.u32 @!p0 $0xF7A, s2;
	p2 =	seq.s32 @!p0 s5, $0x0  }
0x1f: {  	s9 =	smul.u32 $0xF7A, s1;
	s8 =	simm.s32 @!p0 $0x1BF5;
	p2 =	por !p2, p0  }
0x20: {  	[sflag:s8] =	ssyncset.s32 @!p0 $0xFFFFF086;
	s6 =	sadd.s32 @!p0 s3, s7;
	s7 =	simm.s32 @!p0 $0x108  }
0x21: {  	s3 =	sadd.s32 s3, s9;
	s6 =	sadd.s32 @!p0 $0x88, s6;
	s7 =	simm.s32 @p2 $0x1082  }
0x22: {  	[simem:s7], [sflag:s8] =	dma.local @!p0 [hbm:s6], $0xF7A  }
0x23: {  	s9 =	sor.u32 $0xD0000000, s2;
	s6 =	simm.s32 $0x108;
	_ =	swait.ge @!p0 [sflag:s8], $0x0  }
0x24: {  	s3 =	sadd.s32 $0x88, s3;
	s6 =	simm.s32 @!p1 $0x1082;
	[sflag:s4] =	ssyncset.s32 $0xFFFFF086  }
0x25: {  	[simem:s6], [sflag:s4] =	dma.local [hbm:s3], $0xF7A  }
0x26: {  	[smem:$0x3F9A] =	sst s1;
	(tag) =	ssettag s2;
	_ =	strace s9  }
0x27: {  	s1 =	sld [smem:$0x3FAA]  }
0x28: {  	s2 =	sld [smem:$0x3FAB]  }
0x29: {  	s4 =	sld [smem:$0x3FAD]  }
0x2a: {  	p0 =	seq.s32 s5, $0x0;
	s5 =	sld [smem:$0x3FAE]  }
0x2b: {  	s6 =	sld [smem:$0x3FAF]  }
0x2c: {  	s7 =	sld [smem:$0x3FB0]  }
0x2d: {  	s3 =	simm.s32 $0x108;
	s8 =	sld [smem:$0x3FB1]  }
0x2e: {  	s3 =	simm.s32 @!p0 $0x1082;
	s9 =	sld [smem:$0x3FB2]  }
0x2f: {  	lr =	sadd.s32 s0, s3;
	s0 =	sld [smem:$0x3FA9]  }
0x30: {  	s3 =	sld [smem:$0x3FAC]  }
0x31: {  	[smem:$0x3FB5] =	sst s10  }
0x32: {  	s10 =	sld [smem:$0x3FB3];
	_ =	sdelay $0x3  }
0x33: {  	p0 =	seq.s32 s10, $0x1;
	s10 =	sld [smem:$0x3FB5];
	_ =	sdelay $0x3  }
0x34: {  	[smem:$0x3FB5] =	sst s10  }
0x35: {  	s10 =	sld [smem:$0x3FB4];
	_ =	sdelay $0x3  }
0x36: {  	p1 =	seq.s32 s10, $0x1;
	s10 =	sld [smem:$0x3FB5];
	_ =	sdelay $0x3  }
0x37: {  	[smem:$0x3FB5] =	sst s10  }
0x38: {  	s10 =	sld [smem:$0x3FB6]  }
0x39: {  	_ = 	snop;
	(pc) =	sbr.ind lr, $3  }
0x3a: {  	_ = 	snop  }
0x3b: {  	_ = 	snop  }
0x3c: {  	p2 =	seq.s32 s10, $0x1;
	s10 =	sld [smem:$0x3FB5]  }
0x3d: {  	_ =	shalt  }
0x3e: {  	_ =	shalt  }
0x3f: {  	_ =	shalt  }
0x40: {  	_ =	shalt  }
0x41: {  	_ =	shalt  }
0x42: {  	_ =	shalt  }
0x43: {  	_ =	shalt  }
0x44: {  	_ =	shalt  }
0x45: {  	_ =	shalt  }
0x46: {  	_ =	shalt  }
0x47: {  	_ =	shalt  }
0x48: {  	_ =	shalt  }
0x49: {  	_ =	shalt  }
0x4a: {  	_ =	shalt  }
0x4b: {  	_ =	shalt  }
0x4c: {  	_ =	shalt  }
0x4d: {  	_ =	shalt  }
0x4e: {  	_ =	shalt  }
0x4f: {  	_ =	shalt  }
0x50: {  	_ =	shalt  }
0x51: {  	_ =	shalt  }
0x52: {  	_ =	shalt  }
0x53: {  	_ =	shalt  }
0x54: {  	_ =	shalt  }
0x55: {  	_ =	shalt  }
0x56: {  	_ =	shalt  }
0x57: {  	_ =	shalt  }
0x58: {  	_ =	shalt  }
0x59: {  	_ =	shalt  }
0x5a: {  	_ =	shalt  }
0x5b: {  	_ =	shalt  }
0x5c: {  	_ =	shalt  }
0x5d: {  	_ =	shalt  }
0x5e: {  	_ =	shalt  }
0x5f: {  	_ =	shalt  }
0x60: {  	_ =	shalt  }
0x61: {  	_ =	shalt  }
0x62: {  	_ =	shalt  }
0x63: {  	_ =	shalt  }
0x64: {  	_ =	shalt  }
0x65: {  	_ =	shalt  }
0x66: {  	_ =	shalt  }
0x67: {  	_ =	shalt  }
0x68: {  	_ =	shalt  }
0x69: {  	_ =	shalt  }
0x6a: {  	_ =	shalt  }
0x6b: {  	_ =	shalt  }
0x6c: {  	_ =	shalt  }
0x6d: {  	_ =	shalt  }
0x6e: {  	_ =	shalt  }
0x6f: {  	_ =	shalt  }
0x70: {  	_ =	shalt  }
0x71: {  	_ =	shalt  }
0x72: {  	_ =	shalt  }
0x73: {  	_ =	shalt  }
0x74: {  	_ =	shalt  }
0x75: {  	_ =	shalt  }
0x76: {  	_ =	shalt  }
0x77: {  	_ =	shalt  }
0x78: {  	_ =	shalt  }
0x79: {  	_ =	shalt  }
0x7a: {  	_ =	shalt  }
0x7b: {  	_ =	shalt  }
0x7c: {  	_ =	shalt  }
0x7d: {  	_ =	shalt  }
0x7e: {  	_ =	shalt  }
0x7f: {  	_ =	shalt  }
0x80: {  	_ =	shalt  }
0x81: {  	_ =	shalt  }
0x82: {  	_ =	shalt  }
0x83: {  	_ =	shalt  }
0x84: {  	_ =	shalt  }
0x85: {  	_ =	shalt  }
0x86: {  	_ =	shalt  }
0x87: {  	_ =	shalt  }
.Lfunc_end0:
.L_simem_size_0:
called_computation_lowered:
.L_overlay_start_0:
0x88: {  	s2 =	sld [smem:$0x3FD9]  }
0x89: {  	s3 =	sld [smem:$0x3FFE];
	_ =	sdelay $0x1  }
0x8a: {  	s1 =	srdreg.scid  }
0x8b: {  	s0 =	sand.u32 $0x1, s1  }
0x8c: {  	s14 =	sshll.u32 s0, $0xA;
	s2 =	sadd.s32 s3, s2  }
0x8d: {  	s2 =	sadd.s32 s2, s14  }
0x8e: {  	[smem:$0x3FC1] =	sst s2  }
0x8f: {  	_ = 	snop  }
0x90: {  	s2 =	sld [smem:$0x3FD0];
	_ =	sdelay $0x2  }
0x91: {  	s4 =	simm.s32 $0xA;
	s5 =	simm.s32 $0x10;
	s15 =	sld [smem:$0x3FC8]  }
0x92: {  	[smem:s5], [sflag:s4] =	dma.local [hbm:s2], $0x1  }
0x93: {  	_ =	swait.eq [sflag:s4], $0x1  }
0x94: {  	[sflag:s4] =	ssyncset.done $0x0  }
0x95: {  	[sflag:s4] =	ssyncadd.s32 $0xFFFFFFFF  }
0x96: {  	s16 =	sld [smem:$0x11];
	(tm) =	ssettm $0x1  }
0x97: {  	s17 =	sld [smem:$0x3FFB];
	_ =	sdelay $0x3  }
0x98: {  	_ =	strace s17  }
0x99: {  	s4 =	sld [smem:$0x3FFC];
	_ =	sdelay $0x3  }
0x9a: {  	_ =	strace s4  }
0x9b: {  	s4 =	sld [smem:$0x3FFD];
	_ =	sdelay $0x3  }
0x9c: {  	_ =	strace s4  }
0x9d: {  	_ =	strace $0x8FFFFFFF  }
0x9e: {  	s18 =	sld [smem:$0x3FDB];
	_ =	sdelay $0x1  }
0x9f: {  	s19 =	simm.s32 $_scs_section_size  }
0xa0: {  	s6 =	simm.s32 $_size__tile_overlayer_lowered;
	s7 =	simm.s32 $_tile_overlayer_lowered  }
0xa1: {  	s22 =	simm.s32 $0x1BFF;
	s21 =	sshll.u32 s7, $0x1;
	s4 =	sadd.s32 s19, s18  }
0xa2: {  	s8 =	simm.s32 $0x0;
	s20 =	sshll.u32 s6, $0x1;
	s6 =	sadd.s32 s21, s4  }
0xa3: {  	[timem:s8], [sflag:s22] =	dma.local [hbm:s6], s20  }
0xa4: {  	_ =	swait.ge [sflag:s22], s20  }
0xa5: {  	s5 =	ssub.s32 $0x0, s20;
	[sflag:s22] =	ssyncset.done $0x0  }
0xa6: {  	[sflag:s22] =	ssyncadd.s32 s5;
	_ =	sdelay $0x1  }
0xa7: {  	s23 =	simm.s32 $0x1B8B  }
0xa8: {  	_ =	swait.ge [sflag:s23], $0x1  }
0xa9: {  	[sflag:s23] =	ssyncset.done $0x0  }
0xaa: {  	s25 =	simm.s32 $0x1B8E;
	s24 =	sld [smem:$0x3FFE];
	[sflag:s23] =	ssyncadd.s32 $0xFFFFFFFF  }
0xab: {  	s26 =	simm.s32 $execute0_lowered;
	[smem:$0x3FD2] =	sst s25  }
0xac: {  	s6 =	sshll.u32 s26, $0x1;
	_ =	strace $0x80000046;
	[dreg:$0x1] =	wrdreg $0xFFFFFFFF  }
0xad: {  	s28 =	simm.s32 $_size_execute0_lowered;
	s4 =	sadd.s32 s4, s6;
	[dreg:$0x0] =	wrdreg $0x0  }
0xae: {  	s6 =	sshll.u32 s28, $0x1;
	[dreg:$0x2] =	wrdreg s4  }
0xaf: {  	[dreg:$0x3] =	wrdreg s6  }
0xb0: {  	[dreg:$0x4] =	wrdreg $0xC0  }
0xb1: {  	_ =	task [dreg:s8], $0x5FFFF  }
0xb2: {  	[dreg:$0x1] =	wrdreg $0xFFFFFFFF  }
0xb3: {  	[dreg:$0x0] =	wrdreg $0x60  }
0xb4: {  	[dreg:$0x2] =	wrdreg s16  }
0xb5: {  	[dreg:$0x3] =	wrdreg s15  }
0xb6: {  	[dreg:$0x4] =	wrdreg s24  }
0xb7: {  	[dreg:$0x5] =	wrdreg $0x9  }
0xb8: {  	_ =	task.clear_ibuf [dreg:s8], $0x6FFFF;
	_ =	strace $0x90000046  }
0xb9: {  	s29 =	simm.s32 $0x9;
	_ =	strace $0x80000048  }
0xba: {  	_ =	swait.ge [sflag:s29], $0x1  }
0xbb: {  	[sflag:s29] =	ssyncadd.s32 $0xFFFFFFFF  }
0xbc: {  	_ =	strace $0x90000048  }
0xbd: {  	_ =	sfence  }
0xbe: {  	s30 =	sld [smem:$0x0];
	_ =	sdelay $0x2  }
0xbf: {  	s31 =	sshll.u32 s1, $0xD;
	s1 =	sshrl.u32 s1, $0x2  }
0xc0: {  	s3 =	sand.u32 $0x4000, s31;
	s1 =	sadd.s32 s1, s30  }
0xc1: {  	s0 =	sor.u32 s3, s0;
	s1 =	sshll.u32 s1, $0x11  }
0xc2: {  	s0 =	sor.u32 s1, s0  }
0xc3: {  	s0 =	sadd.s32 $0x8F2B, s0  }
0xc4: {  	[sflag:s0] =	ssyncadd.remote.s32 $0x1  }
0xc5: {  	_ =	sfence.sel $0xFFFF  }
0xc6: {  	[dreg:$0x0] =	wrdreg $0xFFFFFFFF;
	(pc) =	sbr.abs _section_cstart, $3  }
0xc7: {  	[dreg:$0x1] =	wrdreg $0xFFFFFFFF  }
0xc8: {  	_ =	task.clear_ibuf [dreg:s8], $0x2FFFF;
	_ =	strace $0x9FFFFFFF  }
0xc9: {  	(tm) =	ssettm $0x7FFFFFFF  }
tec
execute0_lowered:
.L_overlay_start_1:
0x0: {  	(tag) =	ssettag $0x1  }
0x1: {  	s0 =	rddreg [dreg:$0x0]  }
0x2: {  	s1 =	rddreg [dreg:$0x1]  }
0x3: {  	s4 =	rddreg [dreg:$0x2];
	s3 =	simm.s32 $0x0  }
0x4: {  	[smem:$0x7FF] =	sst s3;
	s8 =	sadd.s32 $0x1600, s4  }
0x5: {  	s9 =	simm.s32 $0x880;
	_ =	strace $0x80000047;
	[dreg:$0x4] =	wrdreg s8  }
0x6: {  	s10 =	simm.s32 $0x1080;
	[dreg:$0x8] =	wrdreg s9  }
0x7: {  	s11 =	simm.s32 $0x1880;
	[dreg:$0x9] =	wrdreg s10  }
0x8: {  	s12 =	simm.s32 $0x2080;
	[dreg:$0xa] =	wrdreg s11  }
0x9: {  	s13 =	simm.s32 $0x2880;
	[dreg:$0xb] =	wrdreg s12  }
0xa: {  	s5 =	srdreg.scid;
	s14 =	simm.s32 $0x3080;
	[dreg:$0xc] =	wrdreg s13  }
0xb: {  	s2 =	stileid.u32;
	s16 =	simm.s32 $0x3880;
	[dreg:$0xd] =	wrdreg s14  }
0xc: {  	s17 =	simm.s32 $0x4080;
	s18 =	simm.s32 $0x4880;
	[dreg:$0xe] =	wrdreg s16  }
0xd: {  	s19 =	simm.s32 $0x5080;
	s20 =	simm.s32 $0x5880;
	[dreg:$0xf] =	wrdreg s17  }
0xe: {  	s21 =	simm.s32 $0x6080;
	s22 =	simm.s32 $0x6880;
	[dreg:$0x10] =	wrdreg s18  }
0xf: {  	s23 =	simm.s32 $0x7080;
	s24 =	simm.s32 $0x7880;
	[dreg:$0x11] =	wrdreg s19  }
0x10: {  	s25 =	simm.s32 $0x8080;
	s26 =	simm.s32 $0x8880;
	[dreg:$0x12] =	wrdreg s20  }
0x11: {  	s28 =	simm.s32 $0xF880;
	s29 =	simm.s32 $0x20;
	[dreg:$0x13] =	wrdreg s21  }
0x12: {  	s30 =	simm.s32 $0x10080;
	s31 =	simm.s32 $0x1;
	[dreg:$0x14] =	wrdreg s22  }
0x13: {  	s5 =	sand.u32 $0x1, s5;
	s6 =	sshll.u32 s2, $0x6;
	[dreg:$0x15] =	wrdreg s23  }
0x14: {  	s7 =	sshll.u32 s5, $0x5;
	s15 =	ssub.s32 $0x2, s5;
	[dreg:$0x16] =	wrdreg s24  }
0x15: {  	s9 =	sadd.s32 $0x600, s1;
	s10 =	sadd.s32 $0x700, s1;
	[dreg:$0x17] =	wrdreg s25  }
0x16: {  	s12 =	simm.s32 $0x3;
	s13 =	simm.s32 $0x80;
	[dreg:$0x18] =	wrdreg s26  }
0x17: {  	s16 =	simm.s32 $0xA080;
	s17 =	simm.s32 $0xA880;
	s18 =	simm.s32 $0xB080  }
0x18: {  	s19 =	simm.s32 $0xB880;
	s20 =	simm.s32 $0xC080;
	s21 =	simm.s32 $0xC880  }
0x19: {  	s22 =	simm.s32 $0xD080;
	s23 =	simm.s32 $0xD880;
	s24 =	simm.s32 $0xE080  }
0x1a: {  	s25 =	simm.s32 $0xE880;
	s26 =	simm.s32 $0xF080;
	s6 =	sor.u32 s7, s6  }
0x1b: {  	s5 =	sshrl.u32 s15, $0x1;
	s7 =	sshll.u32 s6, $0x8;
	s2 =	sshrl.u32 s6, $0x3  }
0x1c: {  	s6 =	sshll.u32 s6, $0x4;
	s11 =	ssub.s32 s15, s5;
	s5 =	sadd.s32 $0x200, s1  }
0x1d: {  	s15 =	simm.s32 $0x9880;
	s7 =	sadd.s32 s7, s4;
	s0 =	sadd.s32 s0, s2  }
0x1e: {  	s4 =	sadd.s32 s6, s4;
	s6 =	sadd.s32 $0x300, s1;
	s11 =	smax.u32 s11, $0x1  }
0x1f: {  	v2 =	vlaneseq.u32;
	[dreg:$0x5] =	wrdreg s0;
	s7 =	sadd.s32 $0x21600, s7;
	s8 =	sadd.s32 $0x61600, s4  }
0x20: {  	vm0 =	vmmov $0xffff;
	v1 =	vshrl.u32 v2, $0x3;
	s4 =	sadd.s32 $0x100, s1;
	s0 =	simm.s32 $0x2;
	[dreg:$0x6] =	wrdreg s7  }
0x21: {  	v0 =	vand.u32 $0x7, v2;
	v2 =	vor.u32 $0x8, v2;
	v1 =	vmul.u32 $0x8, v1;
	[dreg:$0x7] =	wrdreg s8;
	s7 =	sadd.s32 $0x400, s1;
	s8 =	sadd.s32 $0x500, s1  }
.LBB2_1:
0x22: {  	s2 =	rddreg [dreg:$0x5]  }
0x23: {  	[tilespmem:s3], [sflag:$0x3] =	stream.linear.gather [hbm4b:s2+s3], $0x20, $0x38;
	[tilespmem:$0x11080] =	vst v63  }
0x24: {  	_ =	swait.ge [sflag:s12], $0x20  }
0x25: {  	[sflag:s12] =	ssyncset.done $0x0  }
0x26: {  	[sflag:s12] =	ssyncadd.s32 $0xFFFFFFE0  }
0x27: {  	v3 =	vld [tilespmem:$0x0];
	_ =	sdelay $0x4  }
0x28: {  	v4 =	vshll.u32 v3, $0x4  }
0x29: {  	v3 =	vand.u32 $0x7, v3;
	v4 =	vand.u32 $0xFFFFFF80, v4  }
0x2a: {  	v3 =	vor.u32 v3, v4  }
0x2b: {  	v4 =	vperm.xlane v3, v0;
	_ =	sdelay $0x1  }
0x2c: {  	v4 =	vadd.s32 v1, v4;
	_ =	sdelay $0x4  }
0x2d: {  	[tilespmem:s13], [sflag:$0x1] =	stream.indirect_vreg.gather [hbm4b:s1+s3], $0x80, v4, vm0, $0xb8;
	[tilespmem:$0x11080] =	vst v63  }
0x2e: {  	s2 =	rddreg [dreg:$0x8]  }
0x2f: {  	[tilespmem:s2], [sflag:$0x1] =	stream.indirect_vreg.gather [hbm4b:s4+s3], $0x80, v4, vm0, $0xb8;
	[tilespmem:$0x11080] =	vst v63  }
0x30: {  	s14 =	rddreg [dreg:$0x9]  }
0x31: {  	[tilespmem:s14], [sflag:$0x1] =	stream.indirect_vreg.gather [hbm4b:s5+s3], $0x80, v4, vm0, $0xb8;
	[tilespmem:$0x11080] =	vst v63  }
0x32: {  	s2 =	rddreg [dreg:$0xa]  }
0x33: {  	[tilespmem:s2], [sflag:$0x1] =	stream.indirect_vreg.gather [hbm4b:s6+s3], $0x80, v4, vm0, $0xb8;
	[tilespmem:$0x11080] =	vst v63  }
0x34: {  	s14 =	rddreg [dreg:$0xb]  }
0x35: {  	[tilespmem:s14], [sflag:$0x1] =	stream.indirect_vreg.gather [hbm4b:s7+s3], $0x80, v4, vm0, $0xb8;
	[tilespmem:$0x11080] =	vst v63  }
0x36: {  	v3 =	vperm.xlane v3, v2;
	s2 =	rddreg [dreg:$0xc]  }
0x37: {  	[tilespmem:s2], [sflag:$0x1] =	stream.indirect_vreg.gather [hbm4b:s8+s3], $0x80, v4, vm0, $0xb8;
	[tilespmem:$0x11080] =	vst v63  }
0x38: {  	v3 =	vadd.s32 v1, v3;
	s14 =	rddreg [dreg:$0xd]  }
0x39: {  	[tilespmem:s14], [sflag:$0x1] =	stream.indirect_vreg.gather [hbm4b:s9+s3], $0x80, v4, vm0, $0xb8;
	[tilespmem:$0x11080] =	vst v63  }
0x3a: {  	s2 =	rddreg [dreg:$0xe]  }
0x3b: {  	[tilespmem:s2], [sflag:$0x1] =	stream.indirect_vreg.gather [hbm4b:s10+s3], $0x80, v4, vm0, $0xb8;
	[tilespmem:$0x11080] =	vst v63  }
0x3c: {  	s14 =	rddreg [dreg:$0xf]  }
0x3d: {  	[tilespmem:s14], [sflag:$0x1] =	stream.indirect_vreg.gather [hbm4b:s1+s3], $0x80, v3, vm0, $0xb8;
	[tilespmem:$0x11080] =	vst v63  }
0x3e: {  	s2 =	rddreg [dreg:$0x10]  }
0x3f: {  	[tilespmem:s2], [sflag:$0x1] =	stream.indirect_vreg.gather [hbm4b:s4+s3], $0x80, v3, vm0, $0xb8;
	[tilespmem:$0x11080] =	vst v63  }
0x40: {  	s14 =	rddreg [dreg:$0x11]  }
0x41: {  	[tilespmem:s14], [sflag:$0x1] =	stream.indirect_vreg.gather [hbm4b:s5+s3], $0x80, v3, vm0, $0xb8;
	[tilespmem:$0x11080] =	vst v63  }
0x42: {  	s2 =	rddreg [dreg:$0x12]  }
0x43: {  	[tilespmem:s2], [sflag:$0x1] =	stream.indirect_vreg.gather [hbm4b:s6+s3], $0x80, v3, vm0, $0xb8;
	[tilespmem:$0x11080] =	vst v63  }
0x44: {  	s14 =	rddreg [dreg:$0x13]  }
0x45: {  	[tilespmem:s14], [sflag:$0x1] =	stream.indirect_vreg.gather [hbm4b:s7+s3], $0x80, v3, vm0, $0xb8;
	[tilespmem:$0x11080] =	vst v63  }
0x46: {  	s2 =	rddreg [dreg:$0x14]  }
0x47: {  	[tilespmem:s2], [sflag:$0x1] =	stream.indirect_vreg.gather [hbm4b:s8+s3], $0x80, v3, vm0, $0xb8;
	[tilespmem:$0x11080] =	vst v63  }
0x48: {  	s14 =	rddreg [dreg:$0x15]  }
0x49: {  	[tilespmem:s14], [sflag:$0x1] =	stream.indirect_vreg.gather [hbm4b:s9+s3], $0x80, v3, vm0, $0xb8;
	[tilespmem:$0x11080] =	vst v63  }
0x4a: {  	s2 =	rddreg [dreg:$0x16]  }
0x4b: {  	[tilespmem:s2], [sflag:$0x1] =	stream.indirect_vreg.gather [hbm4b:s10+s3], $0x80, v3, vm0, $0xb8;
	[tilespmem:$0x11080] =	vst v63  }
0x4c: {  	v3 =	vld [tilespmem:$0x10];
	_ =	sdelay $0x4  }
0x4d: {  	v63 =	vshll.u32 v3, $0x4  }
0x4e: {  	v3 =	vand.u32 $0x7, v3;
	v4 =	vand.u32 $0xFFFFFF80, v63  }
0x4f: {  	v3 =	vor.u32 v3, v4  }
0x50: {  	v4 =	vperm.xlane v3, v0;
	_ =	sdelay $0x1  }
0x51: {  	v4 =	vadd.s32 v1, v4;
	_ =	sdelay $0x3  }
0x52: {  	s2 =	rddreg [dreg:$0x17]  }
0x53: {  	[tilespmem:s2], [sflag:$0x1] =	stream.indirect_vreg.gather [hbm4b:s1+s3], $0x80, v4, vm0, $0xb8;
	[tilespmem:$0x11080] =	vst v63  }
0x54: {  	s14 =	rddreg [dreg:$0x18]  }
0x55: {  	[tilespmem:s14], [sflag:$0x1] =	stream.indirect_vreg.gather [hbm4b:s4+s3], $0x80, v4, vm0, $0xb8;
	[tilespmem:$0x11080] =	vst v63  }
0x56: {  	s14 =	simm.s32 $0x9080  }
0x57: {  	[tilespmem:s14], [sflag:$0x1] =	stream.indirect_vreg.gather [hbm4b:s5+s3], $0x80, v4, vm0, $0xb8;
	[tilespmem:$0x11080] =	vst v63  }
0x58: {  	_ = 	snop  }
0x59: {  	[tilespmem:s15], [sflag:$0x1] =	stream.indirect_vreg.gather [hbm4b:s6+s3], $0x80, v4, vm0, $0xb8;
	[tilespmem:$0x11080] =	vst v63  }
0x5a: {  	_ = 	snop  }
0x5b: {  	[tilespmem:s16], [sflag:$0x1] =	stream.indirect_vreg.gather [hbm4b:s7+s3], $0x80, v4, vm0, $0xb8;
	[tilespmem:$0x11080] =	vst v63  }
0x5c: {  	v3 =	vperm.xlane v3, v2  }
0x5d: {  	[tilespmem:s17], [sflag:$0x1] =	stream.indirect_vreg.gather [hbm4b:s8+s3], $0x80, v4, vm0, $0xb8;
	[tilespmem:$0x11080] =	vst v63  }
0x5e: {  	v3 =	vadd.s32 v1, v3  }
0x5f: {  	[tilespmem:s18], [sflag:$0x1] =	stream.indirect_vreg.gather [hbm4b:s9+s3], $0x80, v4, vm0, $0xb8;
	[tilespmem:$0x11080] =	vst v63  }
0x60: {  	_ = 	snop  }
0x61: {  	[tilespmem:s19], [sflag:$0x1] =	stream.indirect_vreg.gather [hbm4b:s10+s3], $0x80, v4, vm0, $0xb8;
	[tilespmem:$0x11080] =	vst v63  }
0x62: {  	_ = 	snop  }
0x63: {  	[tilespmem:s20], [sflag:$0x1] =	stream.indirect_vreg.gather [hbm4b:s1+s3], $0x80, v3, vm0, $0xb8;
	[tilespmem:$0x11080] =	vst v63  }
0x64: {  	_ = 	snop  }
0x65: {  	[tilespmem:s21], [sflag:$0x1] =	stream.indirect_vreg.gather [hbm4b:s4+s3], $0x80, v3, vm0, $0xb8;
	[tilespmem:$0x11080] =	vst v63  }
0x66: {  	_ = 	snop  }
0x67: {  	[tilespmem:s22], [sflag:$0x1] =	stream.indirect_vreg.gather [hbm4b:s5+s3], $0x80, v3, vm0, $0xb8;
	[tilespmem:$0x11080] =	vst v63  }
0x68: {  	_ = 	snop  }
0x69: {  	[tilespmem:s23], [sflag:$0x1] =	stream.indirect_vreg.gather [hbm4b:s6+s3], $0x80, v3, vm0, $0xb8;
	[tilespmem:$0x11080] =	vst v63  }
0x6a: {  	_ = 	snop  }
0x6b: {  	[tilespmem:s24], [sflag:$0x1] =	stream.indirect_vreg.gather [hbm4b:s7+s3], $0x80, v3, vm0, $0xb8;
	[tilespmem:$0x11080] =	vst v63  }
0x6c: {  	_ = 	snop  }
0x6d: {  	[tilespmem:s25], [sflag:$0x1] =	stream.indirect_vreg.gather [hbm4b:s8+s3], $0x80, v3, vm0, $0xb8;
	[tilespmem:$0x11080] =	vst v63  }
0x6e: {  	_ = 	snop  }
0x6f: {  	[tilespmem:s26], [sflag:$0x1] =	stream.indirect_vreg.gather [hbm4b:s9+s3], $0x80, v3, vm0, $0xb8;
	[tilespmem:$0x11080] =	vst v63  }
0x70: {  	_ = 	snop  }
0x71: {  	[tilespmem:s28], [sflag:$0x1] =	stream.indirect_vreg.gather [hbm4b:s10+s3], $0x80, v3, vm0, $0xb8;
	[tilespmem:$0x11080] =	vst v63  }
0x72: {  	s14 =	rddreg [dreg:$0x4]  }
0x73: {  	[tilespmem:s30], [sflag:$0x2] =	stream.indirect.gather [hbm4b:s14+s29], $0x80, s3, s29, $0xb8;
	[tilespmem:$0x11080] =	vst v63  }
0x74: {  	_ =	swait.ge [sflag:s31], $0x10000  }
0x75: {  	[sflag:s31] =	ssyncset.done $0x0  }
0x76: {  	[sflag:s31] =	ssyncadd.s32 $0xFFFF0000  }
0x77: {  	_ =	swait.ge [sflag:s0], $0x1000  }
0x78: {  	[sflag:s0] =	ssyncset.done $0x0  }
0x79: {  	s14 =	rddreg [dreg:$0x6];
	[sflag:s0] =	ssyncadd.s32 $0xFFFFF000  }
0x7a: {  	[hbm4b:s14+s3] =	stream.linear.scatter [tilespmem:s13], [sflag:$0x3], $0x10000, $0x38;
	[tilespmem:$0x11080] =	vst v63  }
0x7b: {  	_ =	swait.ge [sflag:s12], $0x10000  }
0x7c: {  	p0 =	sne.s32 s11, $0x1;
	[sflag:s12] =	ssyncset.done $0x0  }
.Ltmp0:
0x7d: {  	s14 =	rddreg [dreg:$0x7];
	[sflag:s12] =	ssyncadd.s32 $0xFFFF0000;
	(pc) =	sbr.rel @p0 .LBB2_1-.Ltmp0, $4  }
0x7e: {  	[hbm4b:s14+s3] =	stream.linear.scatter [tilespmem:s30], [sflag:$0x3], $0x1000, $0x38;
	[tilespmem:$0x11080] =	vst v63  }
0x7f: {  	_ =	swait.ge [sflag:s12], $0x1000  }
0x80: {  	[sflag:s12] =	ssyncset.done $0x0  }
0x81: {  	s11 =	sadd.s32 $0xFFFFFFFF, s11;
	[sflag:s12] =	ssyncadd.s32 $0xFFFFF000  }
0x82: {  	_ =	sfence.sel $0x180000  }
0x83: {  	[bflag:$0x0] =	sbarrier.arrive $0xFFFF  }
0x84: {  	_ =	strace $0x90000047  }
0x85: {  	s0 =	stileid.u32;
	[bflag:$0x2] =	sbarrier.arrive $0xFFFF  }
0x86: {  	p0 =	sne.s32 s0, $0x0;
	s0 =	rddreg [dreg:$0x3]  }
0x87: {  	s0 =	sadd.s32 @!p0 $0x100000, s0  }
0x88: {  	[sflag:s0] =	ssyncadd.tile.s32 @!p0 $0x1;
	_ =	shalt  }
.Lfunc_end2:
_tile_overlayer_lowered:
.L_overlay_start_2:
0x89: {  	(tag) =	ssettag $0x2  }
0x8a: {  	s0 =	rddreg [dreg:$0x0];
	s2 =	stileid.u32  }
0x8b: {  	s1 =	rddreg [dreg:$0x1];
	p0 =	sne.s32 s2, $0x0  }
0x8c: {  	s3 =	rddreg [dreg:$0x2];
	[bflag:$0x3] =	sbarrier.arrive $0xFFFF;
	s2 =	simm.s32 @!p0 $0x1C03  }
0x8d: {  	[timem:s3], [sflag:s2] =	dma.local @!p0 [hbm:s0], s1  }
0x8e: {  	s0 =	simm.s32 @!p0 $0x3  }
0x8f: {  	_ =	swait.ge @!p0 [sflag:s0], s1  }
0x90: {  	s1 =	ssub.s32 @!p0 $0x0, s1;
	[sflag:s0] =	ssyncset.done @!p0 $0x0  }
0x91: {  	[sflag:s0] =	ssyncadd.s32 @!p0 s1  }
0x92: {  	[bflag:$0x3] =	sbarrier.arrive $0xFFFF  }
0x93: {  	_ =	shalt  }

</sc_bundles>
